<compile_context>
chip_gen: v7x
topology: tpu7x:2x2x1
jax: 0.10.2.dev20260603
libtpu: 0.0.44.dev20260713+nightly
codegen_flags: <defaults>
</compile_context>

<pallas_src>
import functools

import jax
import jax.numpy as jnp
from jax import lax
from jax.experimental import pallas as pl
from jax.experimental.pallas import tpu as pltpu
from jax.experimental.pallas import tpu_sc as plsc

N_NODES_C = 10000
N_EDGES_C = 320000
CH = 128

_NC = 2
_NS = 16
_NW = _NC * _NS
_B = 128
_NCHUNK = 79
_EPT = _NCHUNK * _B
_NPAD = _NW * _EPT - N_EDGES_C
_NACC = N_NODES_C + _B


def _sc_body(x_hbm, row_hbm, col_hbm, zacc_hbm, zdeg_hbm,
             acc_out, deg_out,
             acc_sh, rbs, cbs, vs, degp, sems, semrs):
    c = lax.axis_index("c")
    s = lax.axis_index("s")
    wid = c * _NS + s
    base = pl.multiple_of(wid * _EPT, 8)

    pltpu.sync_copy(zdeg_hbm, degp)

    @pl.when(s == 0)
    def _():
        pltpu.sync_copy(zacc_hbm, acc_sh)

    plsc.subcore_barrier()

    ones16 = jnp.ones((16,), jnp.float32)

    def load_idx(j, b):
        off = pl.multiple_of(base + j * _B, 8)
        pltpu.async_copy(row_hbm.at[pl.ds(off, _B)], rbs[b], semrs[b])
        pltpu.async_copy(col_hbm.at[pl.ds(off, _B)], cbs[b], semrs[b])

    def wait_idx(j, b):
        off = pl.multiple_of(base + j * _B, 8)
        pltpu.make_async_copy(row_hbm.at[pl.ds(off, _B)], rbs[b], semrs[b]).wait()
        pltpu.make_async_copy(col_hbm.at[pl.ds(off, _B)], cbs[b], semrs[b]).wait()

    def gather(b, p):
        pltpu.async_copy(x_hbm.at[cbs[b]], vs[p], sems[p])

    def flush(b, p):
        rb = rbs[b]
        for i in range(_B // 16):
            plsc.addupdate_scatter(degp, [rb[pl.ds(i * 16, 16)]], ones16)
        pltpu.make_async_copy(x_hbm.at[cbs[b]], vs[p], sems[p]).wait()
        pltpu.sync_copy(vs[p], acc_sh.at[rb], add=True)

    for b in range(4):
        load_idx(b, b)
    wait_idx(0, 0)
    gather(0, 0)

    def step(k, carry):
        j = 4 * k
        for i in range(4):
            wait_idx(j + i + 1, (i + 1) % 4)
            gather((i + 1) % 4, (i + 1) % 2)
            flush(i % 4, i % 2)
            load_idx(j + i + 4, i % 4)
        return carry

    lax.fori_loop(0, (_NCHUNK - 3) // 4, step, 0)
    for i in range(3):
        if i < 2:
            wait_idx(76 + i + 1, i + 1)
            gather(i + 1, (i + 1) % 2)
        flush(i, i % 2)
    wait_idx(_NCHUNK, 3)

    d0 = pl.multiple_of(wid * _NACC, 8)
    pltpu.sync_copy(degp, deg_out.at[pl.ds(d0, _NACC)])

    plsc.subcore_barrier()

    @pl.when(s < 10)
    def _():
        for k in range(7):
            r0 = pl.multiple_of(s * 1000 + k * _B, 8)
            pltpu.sync_copy(acc_sh.at[pl.ds(r0, _B)], vs[0])
            pltpu.sync_copy(vs[0], acc_out.at[c, pl.ds(r0, _B)])
        r0 = pl.multiple_of(s * 1000 + 7 * _B, 8)
        pltpu.sync_copy(acc_sh.at[pl.ds(r0, 104)], vs[0].at[pl.ds(0, 104)])
        pltpu.sync_copy(vs[0].at[pl.ds(0, 104)], acc_out.at[c, pl.ds(r0, 104)])


@jax.jit
def _sc_scatter(x, row1, col1):
    zacc = jnp.zeros((_NACC, CH), jnp.float32)
    zdeg = jnp.zeros((_NACC,), jnp.float32)
    mesh = plsc.VectorSubcoreMesh(core_axis_name="c", subcore_axis_name="s")
    f = pl.kernel(
        _sc_body,
        out_type=[
            jax.ShapeDtypeStruct((_NC, N_NODES_C, CH), jnp.float32),
            jax.ShapeDtypeStruct((_NW * _NACC,), jnp.float32),
        ],
        mesh=mesh,
        compiler_params=pltpu.CompilerParams(needs_layout_passes=False),
        scratch_types=[
            pltpu.VMEM_SHARED((_NACC, CH), jnp.float32),
            [pltpu.VMEM((_B,), jnp.int32) for _ in range(4)],
            [pltpu.VMEM((_B,), jnp.int32) for _ in range(4)],
            [pltpu.VMEM((_B, CH), jnp.float32) for _ in range(2)],
            pltpu.VMEM((_NACC,), jnp.float32),
            [pltpu.SemaphoreType.DMA for _ in range(2)],
            [pltpu.SemaphoreType.DMA for _ in range(4)],
        ],
    )
    return f(x, row1, col1, zacc, zdeg)


def _tc_body(acc_ref, deg_ref, x_ref, w_ref, root_ref, bias_ref, o_ref):
    deg = jnp.maximum(jnp.sum(deg_ref[...], axis=1, keepdims=True), 1.0)
    agg = (acc_ref[0] + acc_ref[1]) / deg
    o_ref[...] = (
        jnp.dot(agg, w_ref[...], preferred_element_type=jnp.float32)
        + jnp.dot(x_ref[...], root_ref[...], preferred_element_type=jnp.float32)
        + bias_ref[...]
    )


@jax.jit
def _tc_combine(acc2, degt, x, weight, root, bias2):
    R = 1000
    grid = (N_NODES_C // R,)
    return pl.pallas_call(
        _tc_body,
        grid=grid,
        in_specs=[
            pl.BlockSpec((_NC, R, CH), lambda i: (0, i, 0)),
            pl.BlockSpec((R, _NW), lambda i: (i, 0)),
            pl.BlockSpec((R, CH), lambda i: (i, 0)),
            pl.BlockSpec((CH, CH), lambda i: (0, 0)),
            pl.BlockSpec((CH, CH), lambda i: (0, 0)),
            pl.BlockSpec((1, CH), lambda i: (0, 0)),
        ],
        out_specs=pl.BlockSpec((R, CH), lambda i: (i, 0)),
        out_shape=jax.ShapeDtypeStruct((N_NODES_C, CH), jnp.float32),
    )(acc2, degt, x, weight, root, bias2)


def kernel(x, edge_index, weight, root, bias):
    row = edge_index[0].astype(jnp.int32)
    col = edge_index[1].astype(jnp.int32)
    pad_ar = jnp.arange(_NPAD + _B, dtype=jnp.int32) % _B
    row1 = jnp.concatenate([row, N_NODES_C + pad_ar])
    col1 = jnp.concatenate([col, pad_ar])
    acc2, degf = _sc_scatter(x, row1, col1)
    degt = degf.reshape(_NW, _NACC).T
    return _tc_combine(acc2, degt, x, weight, root, bias[None, :])

# --- scband reference (transcript-rebuilt; emitter-appended) ---
"""Pipeline reference for scband-graph-conv-42331197669585 (READ-ONLY COPY).

The authoritative reference and input builder live on the scoring server;
editing this copy changes nothing except your own understanding.
"""

import jax, jax.numpy as jnp
import numpy as np

N_NODES = 10000
N_EDGES = 320000
IN_CH = 128
OUT_CH = 128

def setup_inputs(seed: int = 0) -> dict:
    key = jax.random.key(seed)
    k1, k2, k3, k4, k5 = jax.random.split(key, 5)
    x = jax.random.normal(k1, (N_NODES, IN_CH), dtype=jnp.float32)
    edge_index = jax.random.randint(k2, (2, N_EDGES), 0, N_NODES, dtype=jnp.int64)
    # uniform(size, tensor): bound = 1/sqrt(size), size = in_channels
    bound = 1.0 / np.sqrt(IN_CH)
    weight = jax.random.uniform(k3, (IN_CH, OUT_CH), dtype=jnp.float32, minval=-bound, maxval=bound)
    root = jax.random.uniform(k4, (IN_CH, OUT_CH), dtype=jnp.float32, minval=-bound, maxval=bound)
    bias = jax.random.uniform(k5, (OUT_CH,), dtype=jnp.float32, minval=-bound, maxval=bound)
    return {"x": x, "edge_index": edge_index, "weight": weight, "root": root, "bias": bias}

def reference(x, edge_index, weight, root, bias):
    row = edge_index[0]
    col = edge_index[1]
    out = x @ weight
    # scatter_add of out[col] into rows indexed by `row`, dim_size = N_NODES
    out = jax.ops.segment_sum(out[col], row, num_segments=N_NODES)
    # degree normalization
    deg = jax.ops.segment_sum(jnp.ones((row.shape[0],), dtype=x.dtype), row, num_segments=N_NODES)
    out = out / jnp.clip(deg, 1.0)[:, None]
    # root weight
    out = out + x @ root
    # bias
    out = out + bias
    return out

if __name__ == "__main__":
    import jax
    _d = setup_inputs()
    print(jax.jit(kernel)(*tuple(_d.values())))

</pallas_src>

<mosaic_0001>
#map = affine_map<(d0, d1) -> (0, 0)>
#map1 = affine_map<(d0, d1) -> (0)>
#map2 = affine_map<(d0, d1) -> (0, 0, 0)>
module attributes {stable_mosaic.version = 14 : i64} {
  func.func @_sc_body(%arg0: i32, %arg1: i32, %arg2: memref<10000x128xf32, #tpu.memory_space<hbm>>, %arg3: memref<323712xi32, #tpu.memory_space<hbm>>, %arg4: memref<323712xi32, #tpu.memory_space<hbm>>, %arg5: memref<10128x128xf32, #tpu.memory_space<hbm>>, %arg6: memref<10128xf32, #tpu.memory_space<hbm>>, %arg7: memref<2x10000x128xf32, #tpu.memory_space<hbm>>, %arg8: memref<324096xf32, #tpu.memory_space<hbm>>, %arg9: memref<10128x128xf32, #tpu.memory_space<vmem_shared>>, %arg10: memref<128xi32, #tpu.memory_space<vmem>>, %arg11: memref<128xi32, #tpu.memory_space<vmem>>, %arg12: memref<128xi32, #tpu.memory_space<vmem>>, %arg13: memref<128xi32, #tpu.memory_space<vmem>>, %arg14: memref<128xi32, #tpu.memory_space<vmem>>, %arg15: memref<128xi32, #tpu.memory_space<vmem>>, %arg16: memref<128xi32, #tpu.memory_space<vmem>>, %arg17: memref<128xi32, #tpu.memory_space<vmem>>, %arg18: memref<128x128xf32, #tpu.memory_space<vmem>>, %arg19: memref<128x128xf32, #tpu.memory_space<vmem>>, %arg20: memref<10128xf32, #tpu.memory_space<vmem>>, %arg21: memref<!tpu.dma_semaphore, #tpu.memory_space<semaphore_mem>>, %arg22: memref<!tpu.dma_semaphore, #tpu.memory_space<semaphore_mem>>, %arg23: memref<!tpu.dma_semaphore, #tpu.memory_space<semaphore_mem>>, %arg24: memref<!tpu.dma_semaphore, #tpu.memory_space<semaphore_mem>>, %arg25: memref<!tpu.dma_semaphore, #tpu.memory_space<semaphore_mem>>, %arg26: memref<!tpu.dma_semaphore, #tpu.memory_space<semaphore_mem>>) attributes {dimension_semantics = [#tpu.dimension_semantics<core_parallel>, #tpu.dimension_semantics<subcore_parallel>], iteration_bounds = array<i64: 2, 16>, scalar_prefetch = 0 : i64, scratch_operands = 18 : i64, tpu.core_type = #tpu.core_type<sc_vector_subcore>, window_params = [{transform_indices = #map}, {transform_indices = #map1}, {transform_indices = #map1}, {transform_indices = #map}, {transform_indices = #map1}, {transform_indices = #map2}, {transform_indices = #map1}]} {
    %mul3A = arith.constant 16 : i32
    %mul3A_0 = arith.muli %arg0, %mul3A : i32
    %add3A = arith.addi %mul3A_0, %arg1 : i32
    %mul3A_1 = arith.constant 10112 : i32
    %mul3A_2 = arith.muli %add3A, %mul3A_1 : i32
    %multiple_of3A = tpu.assume_multiple %mul3A_2, 8 : i32
    "tpu.region"() ({
      %run_scoped3A = tpu.sem_alloc : memref<!tpu.dma_semaphore, #tpu.memory_space<semaphore_mem>>
      tpu.enqueue_dma source(%arg6 : memref<10128xf32, #tpu.memory_space<hbm>>) target(%arg20 : memref<10128xf32, #tpu.memory_space<vmem>>) target_semaphore(%run_scoped3A : memref<!tpu.dma_semaphore, #tpu.memory_space<semaphore_mem>>)
      tpu.wait_dma2 semaphore(%run_scoped3A : memref<!tpu.dma_semaphore, #tpu.memory_space<semaphore_mem>>) src(%arg6 : memref<10128xf32, #tpu.memory_space<hbm>>) dst(%arg20 : memref<10128xf32, #tpu.memory_space<vmem>>)
      tpu.yield
    }) : () -> ()
    %eq3A = arith.constant 0 : i32
    %eq3A_3 = arith.cmpi eq, %arg1, %eq3A : i32
    %convert_element_type3A = arith.extui %eq3A_3 : i1 to i32
    %cond3A = arith.constant 0 : i32
    %cond3A_4 = arith.cmpi ne, %convert_element_type3A, %cond3A : i32
    scf.if %cond3A_4 {
      "tpu.region"() ({
        %run_scoped3A = tpu.sem_alloc : memref<!tpu.dma_semaphore, #tpu.memory_space<semaphore_mem>>
        tpu.enqueue_dma source(%arg5 : memref<10128x128xf32, #tpu.memory_space<hbm>>) target(%arg9 : memref<10128x128xf32, #tpu.memory_space<vmem_shared>>) target_semaphore(%run_scoped3A : memref<!tpu.dma_semaphore, #tpu.memory_space<semaphore_mem>>)
        tpu.wait_dma2 semaphore(%run_scoped3A : memref<!tpu.dma_semaphore, #tpu.memory_space<semaphore_mem>>) src(%arg5 : memref<10128x128xf32, #tpu.memory_space<hbm>>) dst(%arg9 : memref<10128x128xf32, #tpu.memory_space<vmem_shared>>)
        tpu.yield
      }) : () -> ()
    } else {
    }
    %barrier3A = arith.constant 0 : index
    tpu.barrier barrier_id(%barrier3A)
    %broadcast_in_dim3A = arith.constant 1.000000e+00 : f32
    %broadcast_in_dim3A_5 = vector.broadcast %broadcast_in_dim3A : f32 to vector<16xf32>
    %add3A_6 = arith.constant 0 : i32
    %add3A_7 = arith.addi %multiple_of3A, %add3A_6 : i32
    %multiple_of3A_8 = tpu.assume_multiple %add3A_7, 8 : i32
    %dma_start3A = tpu.memref_slice %arg3[%multiple_of3A_8] : memref<323712xi32, #tpu.memory_space<hbm>> -> memref<128xi32, #tpu.memory_space<hbm>>
    %dma_start3A_9 = tpu.memref_slice %arg3[%multiple_of3A_8] : memref<323712xi32, #tpu.memory_space<hbm>> -> memref<128xi32, #tpu.memory_space<hbm>>
    tpu.enqueue_dma source(%dma_start3A_9 : memref<128xi32, #tpu.memory_space<hbm>>) target(%arg10 : memref<128xi32, #tpu.memory_space<vmem>>) target_semaphore(%arg23 : memref<!tpu.dma_semaphore, #tpu.memory_space<semaphore_mem>>)
    %dma_start3A_10 = tpu.memref_slice %arg4[%multiple_of3A_8] : memref<323712xi32, #tpu.memory_space<hbm>> -> memref<128xi32, #tpu.memory_space<hbm>>
    %dma_start3A_11 = tpu.memref_slice %arg4[%multiple_of3A_8] : memref<323712xi32, #tpu.memory_space<hbm>> -> memref<128xi32, #tpu.memory_space<hbm>>
    tpu.enqueue_dma source(%dma_start3A_11 : memref<128xi32, #tpu.memory_space<hbm>>) target(%arg14 : memref<128xi32, #tpu.memory_space<vmem>>) target_semaphore(%arg23 : memref<!tpu.dma_semaphore, #tpu.memory_space<semaphore_mem>>)
    %add3A_12 = arith.constant 128 : i32
    %add3A_13 = arith.addi %multiple_of3A, %add3A_12 : i32
    %multiple_of3A_14 = tpu.assume_multiple %add3A_13, 8 : i32
    %dma_start3A_15 = tpu.memref_slice %arg3[%multiple_of3A_14] : memref<323712xi32, #tpu.memory_space<hbm>> -> memref<128xi32, #tpu.memory_space<hbm>>
    %dma_start3A_16 = tpu.memref_slice %arg3[%multiple_of3A_14] : memref<323712xi32, #tpu.memory_space<hbm>> -> memref<128xi32, #tpu.memory_space<hbm>>
    tpu.enqueue_dma source(%dma_start3A_16 : memref<128xi32, #tpu.memory_space<hbm>>) target(%arg11 : memref<128xi32, #tpu.memory_space<vmem>>) target_semaphore(%arg24 : memref<!tpu.dma_semaphore, #tpu.memory_space<semaphore_mem>>)
    %dma_start3A_17 = tpu.memref_slice %arg4[%multiple_of3A_14] : memref<323712xi32, #tpu.memory_space<hbm>> -> memref<128xi32, #tpu.memory_space<hbm>>
    %dma_start3A_18 = tpu.memref_slice %arg4[%multiple_of3A_14] : memref<323712xi32, #tpu.memory_space<hbm>> -> memref<128xi32, #tpu.memory_space<hbm>>
    tpu.enqueue_dma source(%dma_start3A_18 : memref<128xi32, #tpu.memory_space<hbm>>) target(%arg15 : memref<128xi32, #tpu.memory_space<vmem>>) target_semaphore(%arg24 : memref<!tpu.dma_semaphore, #tpu.memory_space<semaphore_mem>>)
    %add3A_19 = arith.constant 256 : i32
    %add3A_20 = arith.addi %multiple_of3A, %add3A_19 : i32
    %multiple_of3A_21 = tpu.assume_multiple %add3A_20, 8 : i32
    %dma_start3A_22 = tpu.memref_slice %arg3[%multiple_of3A_21] : memref<323712xi32, #tpu.memory_space<hbm>> -> memref<128xi32, #tpu.memory_space<hbm>>
    %dma_start3A_23 = tpu.memref_slice %arg3[%multiple_of3A_21] : memref<323712xi32, #tpu.memory_space<hbm>> -> memref<128xi32, #tpu.memory_space<hbm>>
    tpu.enqueue_dma source(%dma_start3A_23 : memref<128xi32, #tpu.memory_space<hbm>>) target(%arg12 : memref<128xi32, #tpu.memory_space<vmem>>) target_semaphore(%arg25 : memref<!tpu.dma_semaphore, #tpu.memory_space<semaphore_mem>>)
    %dma_start3A_24 = tpu.memref_slice %arg4[%multiple_of3A_21] : memref<323712xi32, #tpu.memory_space<hbm>> -> memref<128xi32, #tpu.memory_space<hbm>>
    %dma_start3A_25 = tpu.memref_slice %arg4[%multiple_of3A_21] : memref<323712xi32, #tpu.memory_space<hbm>> -> memref<128xi32, #tpu.memory_space<hbm>>
    tpu.enqueue_dma source(%dma_start3A_25 : memref<128xi32, #tpu.memory_space<hbm>>) target(%arg16 : memref<128xi32, #tpu.memory_space<vmem>>) target_semaphore(%arg25 : memref<!tpu.dma_semaphore, #tpu.memory_space<semaphore_mem>>)
    %add3A_26 = arith.constant 384 : i32
    %add3A_27 = arith.addi %multiple_of3A, %add3A_26 : i32
    %multiple_of3A_28 = tpu.assume_multiple %add3A_27, 8 : i32
    %dma_start3A_29 = tpu.memref_slice %arg3[%multiple_of3A_28] : memref<323712xi32, #tpu.memory_space<hbm>> -> memref<128xi32, #tpu.memory_space<hbm>>
    %dma_start3A_30 = tpu.memref_slice %arg3[%multiple_of3A_28] : memref<323712xi32, #tpu.memory_space<hbm>> -> memref<128xi32, #tpu.memory_space<hbm>>
    tpu.enqueue_dma source(%dma_start3A_30 : memref<128xi32, #tpu.memory_space<hbm>>) target(%arg13 : memref<128xi32, #tpu.memory_space<vmem>>) target_semaphore(%arg26 : memref<!tpu.dma_semaphore, #tpu.memory_space<semaphore_mem>>)
    %dma_start3A_31 = tpu.memref_slice %arg4[%multiple_of3A_28] : memref<323712xi32, #tpu.memory_space<hbm>> -> memref<128xi32, #tpu.memory_space<hbm>>
    %dma_start3A_32 = tpu.memref_slice %arg4[%multiple_of3A_28] : memref<323712xi32, #tpu.memory_space<hbm>> -> memref<128xi32, #tpu.memory_space<hbm>>
    tpu.enqueue_dma source(%dma_start3A_32 : memref<128xi32, #tpu.memory_space<hbm>>) target(%arg17 : memref<128xi32, #tpu.memory_space<vmem>>) target_semaphore(%arg26 : memref<!tpu.dma_semaphore, #tpu.memory_space<semaphore_mem>>)
    %add3A_33 = arith.constant 0 : i32
    %add3A_34 = arith.addi %multiple_of3A, %add3A_33 : i32
    %multiple_of3A_35 = tpu.assume_multiple %add3A_34, 8 : i32
    %dma_wait3A = tpu.memref_slice %arg3[%multiple_of3A_35] : memref<323712xi32, #tpu.memory_space<hbm>> -> memref<128xi32, #tpu.memory_space<hbm>>
    %dma_wait3A_36 = tpu.memref_slice %arg3[%multiple_of3A_35] : memref<323712xi32, #tpu.memory_space<hbm>> -> memref<128xi32, #tpu.memory_space<hbm>>
    tpu.wait_dma2 semaphore(%arg23 : memref<!tpu.dma_semaphore, #tpu.memory_space<semaphore_mem>>) src(%dma_wait3A_36 : memref<128xi32, #tpu.memory_space<hbm>>) dst(%arg10 : memref<128xi32, #tpu.memory_space<vmem>>)
    %dma_wait3A_37 = tpu.memref_slice %arg4[%multiple_of3A_35] : memref<323712xi32, #tpu.memory_space<hbm>> -> memref<128xi32, #tpu.memory_space<hbm>>
    %dma_wait3A_38 = tpu.memref_slice %arg4[%multiple_of3A_35] : memref<323712xi32, #tpu.memory_space<hbm>> -> memref<128xi32, #tpu.memory_space<hbm>>
    tpu.wait_dma2 semaphore(%arg23 : memref<!tpu.dma_semaphore, #tpu.memory_space<semaphore_mem>>) src(%dma_wait3A_38 : memref<128xi32, #tpu.memory_space<hbm>>) dst(%arg14 : memref<128xi32, #tpu.memory_space<vmem>>)
    %dma_start3A_39 = arith.constant 0 : i32
    %dma_start3A_40 = arith.constant 0 : i32
    %dma_start3A_41 = tpu.memref_slice %arg2[%dma_start3A_39, %dma_start3A_40] : memref<10000x128xf32, #tpu.memory_space<hbm>> -> memref<10000x128xf32, #tpu.memory_space<hbm>>
    tpu.enqueue_indirect_dma source(%dma_start3A_41 : memref<10000x128xf32, #tpu.memory_space<hbm>>) target(%arg18 : memref<128x128xf32, #tpu.memory_space<vmem>>) offsets(%arg14 : memref<128xi32, #tpu.memory_space<vmem>>) semaphore(%arg21 : memref<!tpu.dma_semaphore, #tpu.memory_space<semaphore_mem>>)
    %scan3A = arith.constant 0 : i32
    %scan3A_42 = arith.constant 0 : i32
    %scan3A_43 = arith.constant 19 : i32
    %scan3A_44 = arith.addi %scan3A_42, %scan3A_43 : i32
    %scan3A_45 = arith.constant 1 : i32
    scf.for %scan3A_138 = %scan3A_42 to %scan3A_44 step %scan3A_45  : i32 {
      %mul3A_139 = arith.constant 4 : i32
      %mul3A_140 = arith.muli %mul3A_139, %scan3A_138 : i32
      %add3A_141 = arith.constant 0 : i32
      %add3A_142 = arith.addi %mul3A_140, %add3A_141 : i32
      %add3A_143 = arith.constant 1 : i32
      %add3A_144 = arith.addi %add3A_142, %add3A_143 : i32
      %mul3A_145 = arith.constant 128 : i32
      %mul3A_146 = arith.muli %add3A_144, %mul3A_145 : i32
      %add3A_147 = arith.addi %multiple_of3A, %mul3A_146 : i32
      %multiple_of3A_148 = tpu.assume_multiple %add3A_147, 8 : i32
      %dma_wait3A_149 = tpu.memref_slice %arg3[%multiple_of3A_148] : memref<323712xi32, #tpu.memory_space<hbm>> -> memref<128xi32, #tpu.memory_space<hbm>>
      %dma_wait3A_150 = tpu.memref_slice %arg3[%multiple_of3A_148] : memref<323712xi32, #tpu.memory_space<hbm>> -> memref<128xi32, #tpu.memory_space<hbm>>
      tpu.wait_dma2 semaphore(%arg24 : memref<!tpu.dma_semaphore, #tpu.memory_space<semaphore_mem>>) src(%dma_wait3A_150 : memref<128xi32, #tpu.memory_space<hbm>>) dst(%arg11 : memref<128xi32, #tpu.memory_space<vmem>>)
      %dma_wait3A_151 = tpu.memref_slice %arg4[%multiple_of3A_148] : memref<323712xi32, #tpu.memory_space<hbm>> -> memref<128xi32, #tpu.memory_space<hbm>>
      %dma_wait3A_152 = tpu.memref_slice %arg4[%multiple_of3A_148] : memref<323712xi32, #tpu.memory_space<hbm>> -> memref<128xi32, #tpu.memory_space<hbm>>
      tpu.wait_dma2 semaphore(%arg24 : memref<!tpu.dma_semaphore, #tpu.memory_space<semaphore_mem>>) src(%dma_wait3A_152 : memref<128xi32, #tpu.memory_space<hbm>>) dst(%arg15 : memref<128xi32, #tpu.memory_space<vmem>>)
      %dma_start3A_153 = arith.constant 0 : i32
      %dma_start3A_154 = arith.constant 0 : i32
      %dma_start3A_155 = tpu.memref_slice %arg2[%dma_start3A_153, %dma_start3A_154] : memref<10000x128xf32, #tpu.memory_space<hbm>> -> memref<10000x128xf32, #tpu.memory_space<hbm>>
      tpu.enqueue_indirect_dma source(%dma_start3A_155 : memref<10000x128xf32, #tpu.memory_space<hbm>>) target(%arg19 : memref<128x128xf32, #tpu.memory_space<vmem>>) offsets(%arg15 : memref<128xi32, #tpu.memory_space<vmem>>) semaphore(%arg22 : memref<!tpu.dma_semaphore, #tpu.memory_space<semaphore_mem>>)
      %get3A_156 = arith.constant 0 : index
      %get3A_157 = tpu.vector_load %arg10[%get3A_156] {strides = array<i32>} : memref<128xi32, #tpu.memory_space<vmem>>, vector<16xi32>,
      tpu.vector_store_idx %arg20[%get3A_157], %broadcast_in_dim3A_5 {add = true} : memref<10128xf32, #tpu.memory_space<vmem>>[vector<16xi32>], vector<16xf32>,
      %get3A_158 = arith.constant 16 : index
      %get3A_159 = tpu.vector_load %arg10[%get3A_158] {strides = array<i32>} : memref<128xi32, #tpu.memory_space<vmem>>, vector<16xi32>,
      tpu.vector_store_idx %arg20[%get3A_159], %broadcast_in_dim3A_5 {add = true} : memref<10128xf32, #tpu.memory_space<vmem>>[vector<16xi32>], vector<16xf32>,
      %get3A_160 = arith.constant 32 : index
      %get3A_161 = tpu.vector_load %arg10[%get3A_160] {strides = array<i32>} : memref<128xi32, #tpu.memory_space<vmem>>, vector<16xi32>,
      tpu.vector_store_idx %arg20[%get3A_161], %broadcast_in_dim3A_5 {add = true} : memref<10128xf32, #tpu.memory_space<vmem>>[vector<16xi32>], vector<16xf32>,
      %get3A_162 = arith.constant 48 : index
      %get3A_163 = tpu.vector_load %arg10[%get3A_162] {strides = array<i32>} : memref<128xi32, #tpu.memory_space<vmem>>, vector<16xi32>,
      tpu.vector_store_idx %arg20[%get3A_163], %broadcast_in_dim3A_5 {add = true} : memref<10128xf32, #tpu.memory_space<vmem>>[vector<16xi32>], vector<16xf32>,
      %get3A_164 = arith.constant 64 : index
      %get3A_165 = tpu.vector_load %arg10[%get3A_164] {strides = array<i32>} : memref<128xi32, #tpu.memory_space<vmem>>, vector<16xi32>,
      tpu.vector_store_idx %arg20[%get3A_165], %broadcast_in_dim3A_5 {add = true} : memref<10128xf32, #tpu.memory_space<vmem>>[vector<16xi32>], vector<16xf32>,
      %get3A_166 = arith.constant 80 : index
      %get3A_167 = tpu.vector_load %arg10[%get3A_166] {strides = array<i32>} : memref<128xi32, #tpu.memory_space<vmem>>, vector<16xi32>,
      tpu.vector_store_idx %arg20[%get3A_167], %broadcast_in_dim3A_5 {add = true} : memref<10128xf32, #tpu.memory_space<vmem>>[vector<16xi32>], vector<16xf32>,
      %get3A_168 = arith.constant 96 : index
      %get3A_169 = tpu.vector_load %arg10[%get3A_168] {strides = array<i32>} : memref<128xi32, #tpu.memory_space<vmem>>, vector<16xi32>,
      tpu.vector_store_idx %arg20[%get3A_169], %broadcast_in_dim3A_5 {add = true} : memref<10128xf32, #tpu.memory_space<vmem>>[vector<16xi32>], vector<16xf32>,
      %get3A_170 = arith.constant 112 : index
      %get3A_171 = tpu.vector_load %arg10[%get3A_170] {strides = array<i32>} : memref<128xi32, #tpu.memory_space<vmem>>, vector<16xi32>,
      tpu.vector_store_idx %arg20[%get3A_171], %broadcast_in_dim3A_5 {add = true} : memref<10128xf32, #tpu.memory_space<vmem>>[vector<16xi32>], vector<16xf32>,
      %dma_wait3A_172 = arith.constant 0 : i32
      %dma_wait3A_173 = arith.constant 0 : i32
      %dma_wait3A_174 = tpu.memref_slice %arg2[%dma_wait3A_172, %dma_wait3A_173] : memref<10000x128xf32, #tpu.memory_space<hbm>> -> memref<10000x128xf32, #tpu.memory_space<hbm>>
      tpu.wait_indirect_dma semaphore(%arg21 : memref<!tpu.dma_semaphore, #tpu.memory_space<semaphore_mem>>) src(%dma_wait3A_174 : memref<10000x128xf32, #tpu.memory_space<hbm>>) dst(%arg18 : memref<128x128xf32, #tpu.memory_space<vmem>>)
      "tpu.region"() ({
        %run_scoped3A = tpu.sem_alloc : memref<!tpu.dma_semaphore, #tpu.memory_space<semaphore_mem>>
        %dma_start3A_325 = arith.constant 0 : i32
        %dma_start3A_326 = arith.constant 0 : i32
        %dma_start3A_327 = tpu.memref_slice %arg9[%dma_start3A_325, %dma_start3A_326] : memref<10128x128xf32, #tpu.memory_space<vmem_shared>> -> memref<10128x128xf32, #tpu.memory_space<vmem_shared>>
        tpu.enqueue_indirect_dma source(%arg18 : memref<128x128xf32, #tpu.memory_space<vmem>>) target(%dma_start3A_327 : memref<10128x128xf32, #tpu.memory_space<vmem_shared>>) offsets(%arg10 : memref<128xi32, #tpu.memory_space<vmem>>) semaphore(%run_scoped3A : memref<!tpu.dma_semaphore, #tpu.memory_space<semaphore_mem>>) {add = true}
        %dma_wait3A_328 = arith.constant 0 : i32
        %dma_wait3A_329 = arith.constant 0 : i32
        %dma_wait3A_330 = tpu.memref_slice %arg9[%dma_wait3A_328, %dma_wait3A_329] : memref<10128x128xf32, #tpu.memory_space<vmem_shared>> -> memref<10128x128xf32, #tpu.memory_space<vmem_shared>>
        tpu.wait_indirect_dma semaphore(%run_scoped3A : memref<!tpu.dma_semaphore, #tpu.memory_space<semaphore_mem>>) src(%arg18 : memref<128x128xf32, #tpu.memory_space<vmem>>) dst(%dma_wait3A_330 : memref<10128x128xf32, #tpu.memory_space<vmem_shared>>)
        tpu.yield
      }) : () -> ()
      %add3A_175 = arith.constant 0 : i32
      %add3A_176 = arith.addi %mul3A_140, %add3A_175 : i32
      %add3A_177 = arith.constant 4 : i32
      %add3A_178 = arith.addi %add3A_176, %add3A_177 : i32
      %mul3A_179 = arith.constant 128 : i32
      %mul3A_180 = arith.muli %add3A_178, %mul3A_179 : i32
      %add3A_181 = arith.addi %multiple_of3A, %mul3A_180 : i32
      %multiple_of3A_182 = tpu.assume_multiple %add3A_181, 8 : i32
      %dma_start3A_183 = tpu.memref_slice %arg3[%multiple_of3A_182] : memref<323712xi32, #tpu.memory_space<hbm>> -> memref<128xi32, #tpu.memory_space<hbm>>
      %dma_start3A_184 = tpu.memref_slice %arg3[%multiple_of3A_182] : memref<323712xi32, #tpu.memory_space<hbm>> -> memref<128xi32, #tpu.memory_space<hbm>>
      tpu.enqueue_dma source(%dma_start3A_184 : memref<128xi32, #tpu.memory_space<hbm>>) target(%arg10 : memref<128xi32, #tpu.memory_space<vmem>>) target_semaphore(%arg23 : memref<!tpu.dma_semaphore, #tpu.memory_space<semaphore_mem>>)
      %dma_start3A_185 = tpu.memref_slice %arg4[%multiple_of3A_182] : memref<323712xi32, #tpu.memory_space<hbm>> -> memref<128xi32, #tpu.memory_space<hbm>>
      %dma_start3A_186 = tpu.memref_slice %arg4[%multiple_of3A_182] : memref<323712xi32, #tpu.memory_space<hbm>> -> memref<128xi32, #tpu.memory_space<hbm>>
      tpu.enqueue_dma source(%dma_start3A_186 : memref<128xi32, #tpu.memory_space<hbm>>) target(%arg14 : memref<128xi32, #tpu.memory_space<vmem>>) target_semaphore(%arg23 : memref<!tpu.dma_semaphore, #tpu.memory_space<semaphore_mem>>)
      %add3A_187 = arith.constant 1 : i32
      %add3A_188 = arith.addi %mul3A_140, %add3A_187 : i32
      %add3A_189 = arith.constant 1 : i32
      %add3A_190 = arith.addi %add3A_188, %add3A_189 : i32
      %mul3A_191 = arith.constant 128 : i32
      %mul3A_192 = arith.muli %add3A_190, %mul3A_191 : i32
      %add3A_193 = arith.addi %multiple_of3A, %mul3A_192 : i32
      %multiple_of3A_194 = tpu.assume_multiple %add3A_193, 8 : i32
      %dma_wait3A_195 = tpu.memref_slice %arg3[%multiple_of3A_194] : memref<323712xi32, #tpu.memory_space<hbm>> -> memref<128xi32, #tpu.memory_space<hbm>>
      %dma_wait3A_196 = tpu.memref_slice %arg3[%multiple_of3A_194] : memref<323712xi32, #tpu.memory_space<hbm>> -> memref<128xi32, #tpu.memory_space<hbm>>
      tpu.wait_dma2 semaphore(%arg25 : memref<!tpu.dma_semaphore, #tpu.memory_space<semaphore_mem>>) src(%dma_wait3A_196 : memref<128xi32, #tpu.memory_space<hbm>>) dst(%arg12 : memref<128xi32, #tpu.memory_space<vmem>>)
      %dma_wait3A_197 = tpu.memref_slice %arg4[%multiple_of3A_194] : memref<323712xi32, #tpu.memory_space<hbm>> -> memref<128xi32, #tpu.memory_space<hbm>>
      %dma_wait3A_198 = tpu.memref_slice %arg4[%multiple_of3A_194] : memref<323712xi32, #tpu.memory_space<hbm>> -> memref<128xi32, #tpu.memory_space<hbm>>
      tpu.wait_dma2 semaphore(%arg25 : memref<!tpu.dma_semaphore, #tpu.memory_space<semaphore_mem>>) src(%dma_wait3A_198 : memref<128xi32, #tpu.memory_space<hbm>>) dst(%arg16 : memref<128xi32, #tpu.memory_space<vmem>>)
      %dma_start3A_199 = arith.constant 0 : i32
      %dma_start3A_200 = arith.constant 0 : i32
      %dma_start3A_201 = tpu.memref_slice %arg2[%dma_start3A_199, %dma_start3A_200] : memref<10000x128xf32, #tpu.memory_space<hbm>> -> memref<10000x128xf32, #tpu.memory_space<hbm>>
      tpu.enqueue_indirect_dma source(%dma_start3A_201 : memref<10000x128xf32, #tpu.memory_space<hbm>>) target(%arg18 : memref<128x128xf32, #tpu.memory_space<vmem>>) offsets(%arg16 : memref<128xi32, #tpu.memory_space<vmem>>) semaphore(%arg21 : memref<!tpu.dma_semaphore, #tpu.memory_space<semaphore_mem>>)
      %get3A_202 = arith.constant 0 : index
      %get3A_203 = tpu.vector_load %arg11[%get3A_202] {strides = array<i32>} : memref<128xi32, #tpu.memory_space<vmem>>, vector<16xi32>,
      tpu.vector_store_idx %arg20[%get3A_203], %broadcast_in_dim3A_5 {add = true} : memref<10128xf32, #tpu.memory_space<vmem>>[vector<16xi32>], vector<16xf32>,
      %get3A_204 = arith.constant 16 : index
      %get3A_205 = tpu.vector_load %arg11[%get3A_204] {strides = array<i32>} : memref<128xi32, #tpu.memory_space<vmem>>, vector<16xi32>,
      tpu.vector_store_idx %arg20[%get3A_205], %broadcast_in_dim3A_5 {add = true} : memref<10128xf32, #tpu.memory_space<vmem>>[vector<16xi32>], vector<16xf32>,
      %get3A_206 = arith.constant 32 : index
      %get3A_207 = tpu.vector_load %arg11[%get3A_206] {strides = array<i32>} : memref<128xi32, #tpu.memory_space<vmem>>, vector<16xi32>,
      tpu.vector_store_idx %arg20[%get3A_207], %broadcast_in_dim3A_5 {add = true} : memref<10128xf32, #tpu.memory_space<vmem>>[vector<16xi32>], vector<16xf32>,
      %get3A_208 = arith.constant 48 : index
      %get3A_209 = tpu.vector_load %arg11[%get3A_208] {strides = array<i32>} : memref<128xi32, #tpu.memory_space<vmem>>, vector<16xi32>,
      tpu.vector_store_idx %arg20[%get3A_209], %broadcast_in_dim3A_5 {add = true} : memref<10128xf32, #tpu.memory_space<vmem>>[vector<16xi32>], vector<16xf32>,
      %get3A_210 = arith.constant 64 : index
      %get3A_211 = tpu.vector_load %arg11[%get3A_210] {strides = array<i32>} : memref<128xi32, #tpu.memory_space<vmem>>, vector<16xi32>,
      tpu.vector_store_idx %arg20[%get3A_211], %broadcast_in_dim3A_5 {add = true} : memref<10128xf32, #tpu.memory_space<vmem>>[vector<16xi32>], vector<16xf32>,
      %get3A_212 = arith.constant 80 : index
      %get3A_213 = tpu.vector_load %arg11[%get3A_212] {strides = array<i32>} : memref<128xi32, #tpu.memory_space<vmem>>, vector<16xi32>,
      tpu.vector_store_idx %arg20[%get3A_213], %broadcast_in_dim3A_5 {add = true} : memref<10128xf32, #tpu.memory_space<vmem>>[vector<16xi32>], vector<16xf32>,
      %get3A_214 = arith.constant 96 : index
      %get3A_215 = tpu.vector_load %arg11[%get3A_214] {strides = array<i32>} : memref<128xi32, #tpu.memory_space<vmem>>, vector<16xi32>,
      tpu.vector_store_idx %arg20[%get3A_215], %broadcast_in_dim3A_5 {add = true} : memref<10128xf32, #tpu.memory_space<vmem>>[vector<16xi32>], vector<16xf32>,
      %get3A_216 = arith.constant 112 : index
      %get3A_217 = tpu.vector_load %arg11[%get3A_216] {strides = array<i32>} : memref<128xi32, #tpu.memory_space<vmem>>, vector<16xi32>,
      tpu.vector_store_idx %arg20[%get3A_217], %broadcast_in_dim3A_5 {add = true} : memref<10128xf32, #tpu.memory_space<vmem>>[vector<16xi32>], vector<16xf32>,
      %dma_wait3A_218 = arith.constant 0 : i32
      %dma_wait3A_219 = arith.constant 0 : i32
      %dma_wait3A_220 = tpu.memref_slice %arg2[%dma_wait3A_218, %dma_wait3A_219] : memref<10000x128xf32, #tpu.memory_space<hbm>> -> memref<10000x128xf32, #tpu.memory_space<hbm>>
      tpu.wait_indirect_dma semaphore(%arg22 : memref<!tpu.dma_semaphore, #tpu.memory_space<semaphore_mem>>) src(%dma_wait3A_220 : memref<10000x128xf32, #tpu.memory_space<hbm>>) dst(%arg19 : memref<128x128xf32, #tpu.memory_space<vmem>>)
      "tpu.region"() ({
        %run_scoped3A = tpu.sem_alloc : memref<!tpu.dma_semaphore, #tpu.memory_space<semaphore_mem>>
        %dma_start3A_325 = arith.constant 0 : i32
        %dma_start3A_326 = arith.constant 0 : i32
        %dma_start3A_327 = tpu.memref_slice %arg9[%dma_start3A_325, %dma_start3A_326] : memref<10128x128xf32, #tpu.memory_space<vmem_shared>> -> memref<10128x128xf32, #tpu.memory_space<vmem_shared>>
        tpu.enqueue_indirect_dma source(%arg19 : memref<128x128xf32, #tpu.memory_space<vmem>>) target(%dma_start3A_327 : memref<10128x128xf32, #tpu.memory_space<vmem_shared>>) offsets(%arg11 : memref<128xi32, #tpu.memory_space<vmem>>) semaphore(%run_scoped3A : memref<!tpu.dma_semaphore, #tpu.memory_space<semaphore_mem>>) {add = true}
        %dma_wait3A_328 = arith.constant 0 : i32
        %dma_wait3A_329 = arith.constant 0 : i32
        %dma_wait3A_330 = tpu.memref_slice %arg9[%dma_wait3A_328, %dma_wait3A_329] : memref<10128x128xf32, #tpu.memory_space<vmem_shared>> -> memref<10128x128xf32, #tpu.memory_space<vmem_shared>>
        tpu.wait_indirect_dma semaphore(%run_scoped3A : memref<!tpu.dma_semaphore, #tpu.memory_space<semaphore_mem>>) src(%arg19 : memref<128x128xf32, #tpu.memory_space<vmem>>) dst(%dma_wait3A_330 : memref<10128x128xf32, #tpu.memory_space<vmem_shared>>)
        tpu.yield
      }) : () -> ()
      %add3A_221 = arith.constant 1 : i32
      %add3A_222 = arith.addi %mul3A_140, %add3A_221 : i32
      %add3A_223 = arith.constant 4 : i32
      %add3A_224 = arith.addi %add3A_222, %add3A_223 : i32
      %mul3A_225 = arith.constant 128 : i32
      %mul3A_226 = arith.muli %add3A_224, %mul3A_225 : i32
      %add3A_227 = arith.addi %multiple_of3A, %mul3A_226 : i32
      %multiple_of3A_228 = tpu.assume_multiple %add3A_227, 8 : i32
      %dma_start3A_229 = tpu.memref_slice %arg3[%multiple_of3A_228] : memref<323712xi32, #tpu.memory_space<hbm>> -> memref<128xi32, #tpu.memory_space<hbm>>
      %dma_start3A_230 = tpu.memref_slice %arg3[%multiple_of3A_228] : memref<323712xi32, #tpu.memory_space<hbm>> -> memref<128xi32, #tpu.memory_space<hbm>>
      tpu.enqueue_dma source(%dma_start3A_230 : memref<128xi32, #tpu.memory_space<hbm>>) target(%arg11 : memref<128xi32, #tpu.memory_space<vmem>>) target_semaphore(%arg24 : memref<!tpu.dma_semaphore, #tpu.memory_space<semaphore_mem>>)
      %dma_start3A_231 = tpu.memref_slice %arg4[%multiple_of3A_228] : memref<323712xi32, #tpu.memory_space<hbm>> -> memref<128xi32, #tpu.memory_space<hbm>>
      %dma_start3A_232 = tpu.memref_slice %arg4[%multiple_of3A_228] : memref<323712xi32, #tpu.memory_space<hbm>> -> memref<128xi32, #tpu.memory_space<hbm>>
      tpu.enqueue_dma source(%dma_start3A_232 : memref<128xi32, #tpu.memory_space<hbm>>) target(%arg15 : memref<128xi32, #tpu.memory_space<vmem>>) target_semaphore(%arg24 : memref<!tpu.dma_semaphore, #tpu.memory_space<semaphore_mem>>)
      %add3A_233 = arith.constant 2 : i32
      %add3A_234 = arith.addi %mul3A_140, %add3A_233 : i32
      %add3A_235 = arith.constant 1 : i32
      %add3A_236 = arith.addi %add3A_234, %add3A_235 : i32
      %mul3A_237 = arith.constant 128 : i32
      %mul3A_238 = arith.muli %add3A_236, %mul3A_237 : i32
      %add3A_239 = arith.addi %multiple_of3A, %mul3A_238 : i32
      %multiple_of3A_240 = tpu.assume_multiple %add3A_239, 8 : i32
      %dma_wait3A_241 = tpu.memref_slice %arg3[%multiple_of3A_240] : memref<323712xi32, #tpu.memory_space<hbm>> -> memref<128xi32, #tpu.memory_space<hbm>>
      %dma_wait3A_242 = tpu.memref_slice %arg3[%multiple_of3A_240] : memref<323712xi32, #tpu.memory_space<hbm>> -> memref<128xi32, #tpu.memory_space<hbm>>
      tpu.wait_dma2 semaphore(%arg26 : memref<!tpu.dma_semaphore, #tpu.memory_space<semaphore_mem>>) src(%dma_wait3A_242 : memref<128xi32, #tpu.memory_space<hbm>>) dst(%arg13 : memref<128xi32, #tpu.memory_space<vmem>>)
      %dma_wait3A_243 = tpu.memref_slice %arg4[%multiple_of3A_240] : memref<323712xi32, #tpu.memory_space<hbm>> -> memref<128xi32, #tpu.memory_space<hbm>>
      %dma_wait3A_244 = tpu.memref_slice %arg4[%multiple_of3A_240] : memref<323712xi32, #tpu.memory_space<hbm>> -> memref<128xi32, #tpu.memory_space<hbm>>
      tpu.wait_dma2 semaphore(%arg26 : memref<!tpu.dma_semaphore, #tpu.memory_space<semaphore_mem>>) src(%dma_wait3A_244 : memref<128xi32, #tpu.memory_space<hbm>>) dst(%arg17 : memref<128xi32, #tpu.memory_space<vmem>>)
      %dma_start3A_245 = arith.constant 0 : i32
      %dma_start3A_246 = arith.constant 0 : i32
      %dma_start3A_247 = tpu.memref_slice %arg2[%dma_start3A_245, %dma_start3A_246] : memref<10000x128xf32, #tpu.memory_space<hbm>> -> memref<10000x128xf32, #tpu.memory_space<hbm>>
      tpu.enqueue_indirect_dma source(%dma_start3A_247 : memref<10000x128xf32, #tpu.memory_space<hbm>>) target(%arg19 : memref<128x128xf32, #tpu.memory_space<vmem>>) offsets(%arg17 : memref<128xi32, #tpu.memory_space<vmem>>) semaphore(%arg22 : memref<!tpu.dma_semaphore, #tpu.memory_space<semaphore_mem>>)
      %get3A_248 = arith.constant 0 : index
      %get3A_249 = tpu.vector_load %arg12[%get3A_248] {strides = array<i32>} : memref<128xi32, #tpu.memory_space<vmem>>, vector<16xi32>,
      tpu.vector_store_idx %arg20[%get3A_249], %broadcast_in_dim3A_5 {add = true} : memref<10128xf32, #tpu.memory_space<vmem>>[vector<16xi32>], vector<16xf32>,
      %get3A_250 = arith.constant 16 : index
      %get3A_251 = tpu.vector_load %arg12[%get3A_250] {strides = array<i32>} : memref<128xi32, #tpu.memory_space<vmem>>, vector<16xi32>,
      tpu.vector_store_idx %arg20[%get3A_251], %broadcast_in_dim3A_5 {add = true} : memref<10128xf32, #tpu.memory_space<vmem>>[vector<16xi32>], vector<16xf32>,
      %get3A_252 = arith.constant 32 : index
      %get3A_253 = tpu.vector_load %arg12[%get3A_252] {strides = array<i32>} : memref<128xi32, #tpu.memory_space<vmem>>, vector<16xi32>,
      tpu.vector_store_idx %arg20[%get3A_253], %broadcast_in_dim3A_5 {add = true} : memref<10128xf32, #tpu.memory_space<vmem>>[vector<16xi32>], vector<16xf32>,
      %get3A_254 = arith.constant 48 : index
      %get3A_255 = tpu.vector_load %arg12[%get3A_254] {strides = array<i32>} : memref<128xi32, #tpu.memory_space<vmem>>, vector<16xi32>,
      tpu.vector_store_idx %arg20[%get3A_255], %broadcast_in_dim3A_5 {add = true} : memref<10128xf32, #tpu.memory_space<vmem>>[vector<16xi32>], vector<16xf32>,
      %get3A_256 = arith.constant 64 : index
      %get3A_257 = tpu.vector_load %arg12[%get3A_256] {strides = array<i32>} : memref<128xi32, #tpu.memory_space<vmem>>, vector<16xi32>,
      tpu.vector_store_idx %arg20[%get3A_257], %broadcast_in_dim3A_5 {add = true} : memref<10128xf32, #tpu.memory_space<vmem>>[vector<16xi32>], vector<16xf32>,
      %get3A_258 = arith.constant 80 : index
      %get3A_259 = tpu.vector_load %arg12[%get3A_258] {strides = array<i32>} : memref<128xi32, #tpu.memory_space<vmem>>, vector<16xi32>,
      tpu.vector_store_idx %arg20[%get3A_259], %broadcast_in_dim3A_5 {add = true} : memref<10128xf32, #tpu.memory_space<vmem>>[vector<16xi32>], vector<16xf32>,
      %get3A_260 = arith.constant 96 : index
      %get3A_261 = tpu.vector_load %arg12[%get3A_260] {strides = array<i32>} : memref<128xi32, #tpu.memory_space<vmem>>, vector<16xi32>,
      tpu.vector_store_idx %arg20[%get3A_261], %broadcast_in_dim3A_5 {add = true} : memref<10128xf32, #tpu.memory_space<vmem>>[vector<16xi32>], vector<16xf32>,
      %get3A_262 = arith.constant 112 : index
      %get3A_263 = tpu.vector_load %arg12[%get3A_262] {strides = array<i32>} : memref<128xi32, #tpu.memory_space<vmem>>, vector<16xi32>,
      tpu.vector_store_idx %arg20[%get3A_263], %broadcast_in_dim3A_5 {add = true} : memref<10128xf32, #tpu.memory_space<vmem>>[vector<16xi32>], vector<16xf32>,
      %dma_wait3A_264 = arith.constant 0 : i32
      %dma_wait3A_265 = arith.constant 0 : i32
      %dma_wait3A_266 = tpu.memref_slice %arg2[%dma_wait3A_264, %dma_wait3A_265] : memref<10000x128xf32, #tpu.memory_space<hbm>> -> memref<10000x128xf32, #tpu.memory_space<hbm>>
      tpu.wait_indirect_dma semaphore(%arg21 : memref<!tpu.dma_semaphore, #tpu.memory_space<semaphore_mem>>) src(%dma_wait3A_266 : memref<10000x128xf32, #tpu.memory_space<hbm>>) dst(%arg18 : memref<128x128xf32, #tpu.memory_space<vmem>>)
      "tpu.region"() ({
        %run_scoped3A = tpu.sem_alloc : memref<!tpu.dma_semaphore, #tpu.memory_space<semaphore_mem>>
        %dma_start3A_325 = arith.constant 0 : i32
        %dma_start3A_326 = arith.constant 0 : i32
        %dma_start3A_327 = tpu.memref_slice %arg9[%dma_start3A_325, %dma_start3A_326] : memref<10128x128xf32, #tpu.memory_space<vmem_shared>> -> memref<10128x128xf32, #tpu.memory_space<vmem_shared>>
        tpu.enqueue_indirect_dma source(%arg18 : memref<128x128xf32, #tpu.memory_space<vmem>>) target(%dma_start3A_327 : memref<10128x128xf32, #tpu.memory_space<vmem_shared>>) offsets(%arg12 : memref<128xi32, #tpu.memory_space<vmem>>) semaphore(%run_scoped3A : memref<!tpu.dma_semaphore, #tpu.memory_space<semaphore_mem>>) {add = true}
        %dma_wait3A_328 = arith.constant 0 : i32
        %dma_wait3A_329 = arith.constant 0 : i32
        %dma_wait3A_330 = tpu.memref_slice %arg9[%dma_wait3A_328, %dma_wait3A_329] : memref<10128x128xf32, #tpu.memory_space<vmem_shared>> -> memref<10128x128xf32, #tpu.memory_space<vmem_shared>>
        tpu.wait_indirect_dma semaphore(%run_scoped3A : memref<!tpu.dma_semaphore, #tpu.memory_space<semaphore_mem>>) src(%arg18 : memref<128x128xf32, #tpu.memory_space<vmem>>) dst(%dma_wait3A_330 : memref<10128x128xf32, #tpu.memory_space<vmem_shared>>)
        tpu.yield
      }) : () -> ()
      %add3A_267 = arith.constant 2 : i32
      %add3A_268 = arith.addi %mul3A_140, %add3A_267 : i32
      %add3A_269 = arith.constant 4 : i32
      %add3A_270 = arith.addi %add3A_268, %add3A_269 : i32
      %mul3A_271 = arith.constant 128 : i32
      %mul3A_272 = arith.muli %add3A_270, %mul3A_271 : i32
      %add3A_273 = arith.addi %multiple_of3A, %mul3A_272 : i32
      %multiple_of3A_274 = tpu.assume_multiple %add3A_273, 8 : i32
      %dma_start3A_275 = tpu.memref_slice %arg3[%multiple_of3A_274] : memref<323712xi32, #tpu.memory_space<hbm>> -> memref<128xi32, #tpu.memory_space<hbm>>
      %dma_start3A_276 = tpu.memref_slice %arg3[%multiple_of3A_274] : memref<323712xi32, #tpu.memory_space<hbm>> -> memref<128xi32, #tpu.memory_space<hbm>>
      tpu.enqueue_dma source(%dma_start3A_276 : memref<128xi32, #tpu.memory_space<hbm>>) target(%arg12 : memref<128xi32, #tpu.memory_space<vmem>>) target_semaphore(%arg25 : memref<!tpu.dma_semaphore, #tpu.memory_space<semaphore_mem>>)
      %dma_start3A_277 = tpu.memref_slice %arg4[%multiple_of3A_274] : memref<323712xi32, #tpu.memory_space<hbm>> -> memref<128xi32, #tpu.memory_space<hbm>>
      %dma_start3A_278 = tpu.memref_slice %arg4[%multiple_of3A_274] : memref<323712xi32, #tpu.memory_space<hbm>> -> memref<128xi32, #tpu.memory_space<hbm>>
      tpu.enqueue_dma source(%dma_start3A_278 : memref<128xi32, #tpu.memory_space<hbm>>) target(%arg16 : memref<128xi32, #tpu.memory_space<vmem>>) target_semaphore(%arg25 : memref<!tpu.dma_semaphore, #tpu.memory_space<semaphore_mem>>)
      %add3A_279 = arith.constant 3 : i32
      %add3A_280 = arith.addi %mul3A_140, %add3A_279 : i32
      %add3A_281 = arith.constant 1 : i32
      %add3A_282 = arith.addi %add3A_280, %add3A_281 : i32
      %mul3A_283 = arith.constant 128 : i32
      %mul3A_284 = arith.muli %add3A_282, %mul3A_283 : i32
      %add3A_285 = arith.addi %multiple_of3A, %mul3A_284 : i32
      %multiple_of3A_286 = tpu.assume_multiple %add3A_285, 8 : i32
      %dma_wait3A_287 = tpu.memref_slice %arg3[%multiple_of3A_286] : memref<323712xi32, #tpu.memory_space<hbm>> -> memref<128xi32, #tpu.memory_space<hbm>>
      %dma_wait3A_288 = tpu.memref_slice %arg3[%multiple_of3A_286] : memref<323712xi32, #tpu.memory_space<hbm>> -> memref<128xi32, #tpu.memory_space<hbm>>
      tpu.wait_dma2 semaphore(%arg23 : memref<!tpu.dma_semaphore, #tpu.memory_space<semaphore_mem>>) src(%dma_wait3A_288 : memref<128xi32, #tpu.memory_space<hbm>>) dst(%arg10 : memref<128xi32, #tpu.memory_space<vmem>>)
      %dma_wait3A_289 = tpu.memref_slice %arg4[%multiple_of3A_286] : memref<323712xi32, #tpu.memory_space<hbm>> -> memref<128xi32, #tpu.memory_space<hbm>>
      %dma_wait3A_290 = tpu.memref_slice %arg4[%multiple_of3A_286] : memref<323712xi32, #tpu.memory_space<hbm>> -> memref<128xi32, #tpu.memory_space<hbm>>
      tpu.wait_dma2 semaphore(%arg23 : memref<!tpu.dma_semaphore, #tpu.memory_space<semaphore_mem>>) src(%dma_wait3A_290 : memref<128xi32, #tpu.memory_space<hbm>>) dst(%arg14 : memref<128xi32, #tpu.memory_space<vmem>>)
      %dma_start3A_291 = arith.constant 0 : i32
      %dma_start3A_292 = arith.constant 0 : i32
      %dma_start3A_293 = tpu.memref_slice %arg2[%dma_start3A_291, %dma_start3A_292] : memref<10000x128xf32, #tpu.memory_space<hbm>> -> memref<10000x128xf32, #tpu.memory_space<hbm>>
      tpu.enqueue_indirect_dma source(%dma_start3A_293 : memref<10000x128xf32, #tpu.memory_space<hbm>>) target(%arg18 : memref<128x128xf32, #tpu.memory_space<vmem>>) offsets(%arg14 : memref<128xi32, #tpu.memory_space<vmem>>) semaphore(%arg21 : memref<!tpu.dma_semaphore, #tpu.memory_space<semaphore_mem>>)
      %get3A_294 = arith.constant 0 : index
      %get3A_295 = tpu.vector_load %arg13[%get3A_294] {strides = array<i32>} : memref<128xi32, #tpu.memory_space<vmem>>, vector<16xi32>,
      tpu.vector_store_idx %arg20[%get3A_295], %broadcast_in_dim3A_5 {add = true} : memref<10128xf32, #tpu.memory_space<vmem>>[vector<16xi32>], vector<16xf32>,
      %get3A_296 = arith.constant 16 : index
      %get3A_297 = tpu.vector_load %arg13[%get3A_296] {strides = array<i32>} : memref<128xi32, #tpu.memory_space<vmem>>, vector<16xi32>,
      tpu.vector_store_idx %arg20[%get3A_297], %broadcast_in_dim3A_5 {add = true} : memref<10128xf32, #tpu.memory_space<vmem>>[vector<16xi32>], vector<16xf32>,
      %get3A_298 = arith.constant 32 : index
      %get3A_299 = tpu.vector_load %arg13[%get3A_298] {strides = array<i32>} : memref<128xi32, #tpu.memory_space<vmem>>, vector<16xi32>,
      tpu.vector_store_idx %arg20[%get3A_299], %broadcast_in_dim3A_5 {add = true} : memref<10128xf32, #tpu.memory_space<vmem>>[vector<16xi32>], vector<16xf32>,
      %get3A_300 = arith.constant 48 : index
      %get3A_301 = tpu.vector_load %arg13[%get3A_300] {strides = array<i32>} : memref<128xi32, #tpu.memory_space<vmem>>, vector<16xi32>,
      tpu.vector_store_idx %arg20[%get3A_301], %broadcast_in_dim3A_5 {add = true} : memref<10128xf32, #tpu.memory_space<vmem>>[vector<16xi32>], vector<16xf32>,
      %get3A_302 = arith.constant 64 : index
      %get3A_303 = tpu.vector_load %arg13[%get3A_302] {strides = array<i32>} : memref<128xi32, #tpu.memory_space<vmem>>, vector<16xi32>,
      tpu.vector_store_idx %arg20[%get3A_303], %broadcast_in_dim3A_5 {add = true} : memref<10128xf32, #tpu.memory_space<vmem>>[vector<16xi32>], vector<16xf32>,
      %get3A_304 = arith.constant 80 : index
      %get3A_305 = tpu.vector_load %arg13[%get3A_304] {strides = array<i32>} : memref<128xi32, #tpu.memory_space<vmem>>, vector<16xi32>,
      tpu.vector_store_idx %arg20[%get3A_305], %broadcast_in_dim3A_5 {add = true} : memref<10128xf32, #tpu.memory_space<vmem>>[vector<16xi32>], vector<16xf32>,
      %get3A_306 = arith.constant 96 : index
      %get3A_307 = tpu.vector_load %arg13[%get3A_306] {strides = array<i32>} : memref<128xi32, #tpu.memory_space<vmem>>, vector<16xi32>,
      tpu.vector_store_idx %arg20[%get3A_307], %broadcast_in_dim3A_5 {add = true} : memref<10128xf32, #tpu.memory_space<vmem>>[vector<16xi32>], vector<16xf32>,
      %get3A_308 = arith.constant 112 : index
      %get3A_309 = tpu.vector_load %arg13[%get3A_308] {strides = array<i32>} : memref<128xi32, #tpu.memory_space<vmem>>, vector<16xi32>,
      tpu.vector_store_idx %arg20[%get3A_309], %broadcast_in_dim3A_5 {add = true} : memref<10128xf32, #tpu.memory_space<vmem>>[vector<16xi32>], vector<16xf32>,
      %dma_wait3A_310 = arith.constant 0 : i32
      %dma_wait3A_311 = arith.constant 0 : i32
      %dma_wait3A_312 = tpu.memref_slice %arg2[%dma_wait3A_310, %dma_wait3A_311] : memref<10000x128xf32, #tpu.memory_space<hbm>> -> memref<10000x128xf32, #tpu.memory_space<hbm>>
      tpu.wait_indirect_dma semaphore(%arg22 : memref<!tpu.dma_semaphore, #tpu.memory_space<semaphore_mem>>) src(%dma_wait3A_312 : memref<10000x128xf32, #tpu.memory_space<hbm>>) dst(%arg19 : memref<128x128xf32, #tpu.memory_space<vmem>>)
      "tpu.region"() ({
        %run_scoped3A = tpu.sem_alloc : memref<!tpu.dma_semaphore, #tpu.memory_space<semaphore_mem>>
        %dma_start3A_325 = arith.constant 0 : i32
        %dma_start3A_326 = arith.constant 0 : i32
        %dma_start3A_327 = tpu.memref_slice %arg9[%dma_start3A_325, %dma_start3A_326] : memref<10128x128xf32, #tpu.memory_space<vmem_shared>> -> memref<10128x128xf32, #tpu.memory_space<vmem_shared>>
        tpu.enqueue_indirect_dma source(%arg19 : memref<128x128xf32, #tpu.memory_space<vmem>>) target(%dma_start3A_327 : memref<10128x128xf32, #tpu.memory_space<vmem_shared>>) offsets(%arg13 : memref<128xi32, #tpu.memory_space<vmem>>) semaphore(%run_scoped3A : memref<!tpu.dma_semaphore, #tpu.memory_space<semaphore_mem>>) {add = true}
        %dma_wait3A_328 = arith.constant 0 : i32
        %dma_wait3A_329 = arith.constant 0 : i32
        %dma_wait3A_330 = tpu.memref_slice %arg9[%dma_wait3A_328, %dma_wait3A_329] : memref<10128x128xf32, #tpu.memory_space<vmem_shared>> -> memref<10128x128xf32, #tpu.memory_space<vmem_shared>>
        tpu.wait_indirect_dma semaphore(%run_scoped3A : memref<!tpu.dma_semaphore, #tpu.memory_space<semaphore_mem>>) src(%arg19 : memref<128x128xf32, #tpu.memory_space<vmem>>) dst(%dma_wait3A_330 : memref<10128x128xf32, #tpu.memory_space<vmem_shared>>)
        tpu.yield
      }) : () -> ()
      %add3A_313 = arith.constant 3 : i32
      %add3A_314 = arith.addi %mul3A_140, %add3A_313 : i32
      %add3A_315 = arith.constant 4 : i32
      %add3A_316 = arith.addi %add3A_314, %add3A_315 : i32
      %mul3A_317 = arith.constant 128 : i32
      %mul3A_318 = arith.muli %add3A_316, %mul3A_317 : i32
      %add3A_319 = arith.addi %multiple_of3A, %mul3A_318 : i32
      %multiple_of3A_320 = tpu.assume_multiple %add3A_319, 8 : i32
      %dma_start3A_321 = tpu.memref_slice %arg3[%multiple_of3A_320] : memref<323712xi32, #tpu.memory_space<hbm>> -> memref<128xi32, #tpu.memory_space<hbm>>
      %dma_start3A_322 = tpu.memref_slice %arg3[%multiple_of3A_320] : memref<323712xi32, #tpu.memory_space<hbm>> -> memref<128xi32, #tpu.memory_space<hbm>>
      tpu.enqueue_dma source(%dma_start3A_322 : memref<128xi32, #tpu.memory_space<hbm>>) target(%arg13 : memref<128xi32, #tpu.memory_space<vmem>>) target_semaphore(%arg26 : memref<!tpu.dma_semaphore, #tpu.memory_space<semaphore_mem>>)
      %dma_start3A_323 = tpu.memref_slice %arg4[%multiple_of3A_320] : memref<323712xi32, #tpu.memory_space<hbm>> -> memref<128xi32, #tpu.memory_space<hbm>>
      %dma_start3A_324 = tpu.memref_slice %arg4[%multiple_of3A_320] : memref<323712xi32, #tpu.memory_space<hbm>> -> memref<128xi32, #tpu.memory_space<hbm>>
      tpu.enqueue_dma source(%dma_start3A_324 : memref<128xi32, #tpu.memory_space<hbm>>) target(%arg17 : memref<128xi32, #tpu.memory_space<vmem>>) target_semaphore(%arg26 : memref<!tpu.dma_semaphore, #tpu.memory_space<semaphore_mem>>)
    }
    %scan3A_46 = arith.constant 19 : i32
    %add3A_47 = arith.constant 9856 : i32
    %add3A_48 = arith.addi %multiple_of3A, %add3A_47 : i32
    %multiple_of3A_49 = tpu.assume_multiple %add3A_48, 8 : i32
    %dma_wait3A_50 = tpu.memref_slice %arg3[%multiple_of3A_49] : memref<323712xi32, #tpu.memory_space<hbm>> -> memref<128xi32, #tpu.memory_space<hbm>>
    %dma_wait3A_51 = tpu.memref_slice %arg3[%multiple_of3A_49] : memref<323712xi32, #tpu.memory_space<hbm>> -> memref<128xi32, #tpu.memory_space<hbm>>
    tpu.wait_dma2 semaphore(%arg24 : memref<!tpu.dma_semaphore, #tpu.memory_space<semaphore_mem>>) src(%dma_wait3A_51 : memref<128xi32, #tpu.memory_space<hbm>>) dst(%arg11 : memref<128xi32, #tpu.memory_space<vmem>>)
    %dma_wait3A_52 = tpu.memref_slice %arg4[%multiple_of3A_49] : memref<323712xi32, #tpu.memory_space<hbm>> -> memref<128xi32, #tpu.memory_space<hbm>>
    %dma_wait3A_53 = tpu.memref_slice %arg4[%multiple_of3A_49] : memref<323712xi32, #tpu.memory_space<hbm>> -> memref<128xi32, #tpu.memory_space<hbm>>
    tpu.wait_dma2 semaphore(%arg24 : memref<!tpu.dma_semaphore, #tpu.memory_space<semaphore_mem>>) src(%dma_wait3A_53 : memref<128xi32, #tpu.memory_space<hbm>>) dst(%arg15 : memref<128xi32, #tpu.memory_space<vmem>>)
    %dma_start3A_54 = arith.constant 0 : i32
    %dma_start3A_55 = arith.constant 0 : i32
    %dma_start3A_56 = tpu.memref_slice %arg2[%dma_start3A_54, %dma_start3A_55] : memref<10000x128xf32, #tpu.memory_space<hbm>> -> memref<10000x128xf32, #tpu.memory_space<hbm>>
    tpu.enqueue_indirect_dma source(%dma_start3A_56 : memref<10000x128xf32, #tpu.memory_space<hbm>>) target(%arg19 : memref<128x128xf32, #tpu.memory_space<vmem>>) offsets(%arg15 : memref<128xi32, #tpu.memory_space<vmem>>) semaphore(%arg22 : memref<!tpu.dma_semaphore, #tpu.memory_space<semaphore_mem>>)
    %get3A = arith.constant 0 : index
    %get3A_57 = tpu.vector_load %arg10[%get3A] {strides = array<i32>} : memref<128xi32, #tpu.memory_space<vmem>>, vector<16xi32>,
    tpu.vector_store_idx %arg20[%get3A_57], %broadcast_in_dim3A_5 {add = true} : memref<10128xf32, #tpu.memory_space<vmem>>[vector<16xi32>], vector<16xf32>,
    %get3A_58 = arith.constant 16 : index
    %get3A_59 = tpu.vector_load %arg10[%get3A_58] {strides = array<i32>} : memref<128xi32, #tpu.memory_space<vmem>>, vector<16xi32>,
    tpu.vector_store_idx %arg20[%get3A_59], %broadcast_in_dim3A_5 {add = true} : memref<10128xf32, #tpu.memory_space<vmem>>[vector<16xi32>], vector<16xf32>,
    %get3A_60 = arith.constant 32 : index
    %get3A_61 = tpu.vector_load %arg10[%get3A_60] {strides = array<i32>} : memref<128xi32, #tpu.memory_space<vmem>>, vector<16xi32>,
    tpu.vector_store_idx %arg20[%get3A_61], %broadcast_in_dim3A_5 {add = true} : memref<10128xf32, #tpu.memory_space<vmem>>[vector<16xi32>], vector<16xf32>,
    %get3A_62 = arith.constant 48 : index
    %get3A_63 = tpu.vector_load %arg10[%get3A_62] {strides = array<i32>} : memref<128xi32, #tpu.memory_space<vmem>>, vector<16xi32>,
    tpu.vector_store_idx %arg20[%get3A_63], %broadcast_in_dim3A_5 {add = true} : memref<10128xf32, #tpu.memory_space<vmem>>[vector<16xi32>], vector<16xf32>,
    %get3A_64 = arith.constant 64 : index
    %get3A_65 = tpu.vector_load %arg10[%get3A_64] {strides = array<i32>} : memref<128xi32, #tpu.memory_space<vmem>>, vector<16xi32>,
    tpu.vector_store_idx %arg20[%get3A_65], %broadcast_in_dim3A_5 {add = true} : memref<10128xf32, #tpu.memory_space<vmem>>[vector<16xi32>], vector<16xf32>,
    %get3A_66 = arith.constant 80 : index
    %get3A_67 = tpu.vector_load %arg10[%get3A_66] {strides = array<i32>} : memref<128xi32, #tpu.memory_space<vmem>>, vector<16xi32>,
    tpu.vector_store_idx %arg20[%get3A_67], %broadcast_in_dim3A_5 {add = true} : memref<10128xf32, #tpu.memory_space<vmem>>[vector<16xi32>], vector<16xf32>,
    %get3A_68 = arith.constant 96 : index
    %get3A_69 = tpu.vector_load %arg10[%get3A_68] {strides = array<i32>} : memref<128xi32, #tpu.memory_space<vmem>>, vector<16xi32>,
    tpu.vector_store_idx %arg20[%get3A_69], %broadcast_in_dim3A_5 {add = true} : memref<10128xf32, #tpu.memory_space<vmem>>[vector<16xi32>], vector<16xf32>,
    %get3A_70 = arith.constant 112 : index
    %get3A_71 = tpu.vector_load %arg10[%get3A_70] {strides = array<i32>} : memref<128xi32, #tpu.memory_space<vmem>>, vector<16xi32>,
    tpu.vector_store_idx %arg20[%get3A_71], %broadcast_in_dim3A_5 {add = true} : memref<10128xf32, #tpu.memory_space<vmem>>[vector<16xi32>], vector<16xf32>,
    %dma_wait3A_72 = arith.constant 0 : i32
    %dma_wait3A_73 = arith.constant 0 : i32
    %dma_wait3A_74 = tpu.memref_slice %arg2[%dma_wait3A_72, %dma_wait3A_73] : memref<10000x128xf32, #tpu.memory_space<hbm>> -> memref<10000x128xf32, #tpu.memory_space<hbm>>
    tpu.wait_indirect_dma semaphore(%arg21 : memref<!tpu.dma_semaphore, #tpu.memory_space<semaphore_mem>>) src(%dma_wait3A_74 : memref<10000x128xf32, #tpu.memory_space<hbm>>) dst(%arg18 : memref<128x128xf32, #tpu.memory_space<vmem>>)
    "tpu.region"() ({
      %run_scoped3A = tpu.sem_alloc : memref<!tpu.dma_semaphore, #tpu.memory_space<semaphore_mem>>
      %dma_start3A_138 = arith.constant 0 : i32
      %dma_start3A_139 = arith.constant 0 : i32
      %dma_start3A_140 = tpu.memref_slice %arg9[%dma_start3A_138, %dma_start3A_139] : memref<10128x128xf32, #tpu.memory_space<vmem_shared>> -> memref<10128x128xf32, #tpu.memory_space<vmem_shared>>
      tpu.enqueue_indirect_dma source(%arg18 : memref<128x128xf32, #tpu.memory_space<vmem>>) target(%dma_start3A_140 : memref<10128x128xf32, #tpu.memory_space<vmem_shared>>) offsets(%arg10 : memref<128xi32, #tpu.memory_space<vmem>>) semaphore(%run_scoped3A : memref<!tpu.dma_semaphore, #tpu.memory_space<semaphore_mem>>) {add = true}
      %dma_wait3A_141 = arith.constant 0 : i32
      %dma_wait3A_142 = arith.constant 0 : i32
      %dma_wait3A_143 = tpu.memref_slice %arg9[%dma_wait3A_141, %dma_wait3A_142] : memref<10128x128xf32, #tpu.memory_space<vmem_shared>> -> memref<10128x128xf32, #tpu.memory_space<vmem_shared>>
      tpu.wait_indirect_dma semaphore(%run_scoped3A : memref<!tpu.dma_semaphore, #tpu.memory_space<semaphore_mem>>) src(%arg18 : memref<128x128xf32, #tpu.memory_space<vmem>>) dst(%dma_wait3A_143 : memref<10128x128xf32, #tpu.memory_space<vmem_shared>>)
      tpu.yield
    }) : () -> ()
    %add3A_75 = arith.constant 9984 : i32
    %add3A_76 = arith.addi %multiple_of3A, %add3A_75 : i32
    %multiple_of3A_77 = tpu.assume_multiple %add3A_76, 8 : i32
    %dma_wait3A_78 = tpu.memref_slice %arg3[%multiple_of3A_77] : memref<323712xi32, #tpu.memory_space<hbm>> -> memref<128xi32, #tpu.memory_space<hbm>>
    %dma_wait3A_79 = tpu.memref_slice %arg3[%multiple_of3A_77] : memref<323712xi32, #tpu.memory_space<hbm>> -> memref<128xi32, #tpu.memory_space<hbm>>
    tpu.wait_dma2 semaphore(%arg25 : memref<!tpu.dma_semaphore, #tpu.memory_space<semaphore_mem>>) src(%dma_wait3A_79 : memref<128xi32, #tpu.memory_space<hbm>>) dst(%arg12 : memref<128xi32, #tpu.memory_space<vmem>>)
    %dma_wait3A_80 = tpu.memref_slice %arg4[%multiple_of3A_77] : memref<323712xi32, #tpu.memory_space<hbm>> -> memref<128xi32, #tpu.memory_space<hbm>>
    %dma_wait3A_81 = tpu.memref_slice %arg4[%multiple_of3A_77] : memref<323712xi32, #tpu.memory_space<hbm>> -> memref<128xi32, #tpu.memory_space<hbm>>
    tpu.wait_dma2 semaphore(%arg25 : memref<!tpu.dma_semaphore, #tpu.memory_space<semaphore_mem>>) src(%dma_wait3A_81 : memref<128xi32, #tpu.memory_space<hbm>>) dst(%arg16 : memref<128xi32, #tpu.memory_space<vmem>>)
    %dma_start3A_82 = arith.constant 0 : i32
    %dma_start3A_83 = arith.constant 0 : i32
    %dma_start3A_84 = tpu.memref_slice %arg2[%dma_start3A_82, %dma_start3A_83] : memref<10000x128xf32, #tpu.memory_space<hbm>> -> memref<10000x128xf32, #tpu.memory_space<hbm>>
    tpu.enqueue_indirect_dma source(%dma_start3A_84 : memref<10000x128xf32, #tpu.memory_space<hbm>>) target(%arg18 : memref<128x128xf32, #tpu.memory_space<vmem>>) offsets(%arg16 : memref<128xi32, #tpu.memory_space<vmem>>) semaphore(%arg21 : memref<!tpu.dma_semaphore, #tpu.memory_space<semaphore_mem>>)
    %get3A_85 = arith.constant 0 : index
    %get3A_86 = tpu.vector_load %arg11[%get3A_85] {strides = array<i32>} : memref<128xi32, #tpu.memory_space<vmem>>, vector<16xi32>,
    tpu.vector_store_idx %arg20[%get3A_86], %broadcast_in_dim3A_5 {add = true} : memref<10128xf32, #tpu.memory_space<vmem>>[vector<16xi32>], vector<16xf32>,
    %get3A_87 = arith.constant 16 : index
    %get3A_88 = tpu.vector_load %arg11[%get3A_87] {strides = array<i32>} : memref<128xi32, #tpu.memory_space<vmem>>, vector<16xi32>,
    tpu.vector_store_idx %arg20[%get3A_88], %broadcast_in_dim3A_5 {add = true} : memref<10128xf32, #tpu.memory_space<vmem>>[vector<16xi32>], vector<16xf32>,
    %get3A_89 = arith.constant 32 : index
    %get3A_90 = tpu.vector_load %arg11[%get3A_89] {strides = array<i32>} : memref<128xi32, #tpu.memory_space<vmem>>, vector<16xi32>,
    tpu.vector_store_idx %arg20[%get3A_90], %broadcast_in_dim3A_5 {add = true} : memref<10128xf32, #tpu.memory_space<vmem>>[vector<16xi32>], vector<16xf32>,
    %get3A_91 = arith.constant 48 : index
    %get3A_92 = tpu.vector_load %arg11[%get3A_91] {strides = array<i32>} : memref<128xi32, #tpu.memory_space<vmem>>, vector<16xi32>,
    tpu.vector_store_idx %arg20[%get3A_92], %broadcast_in_dim3A_5 {add = true} : memref<10128xf32, #tpu.memory_space<vmem>>[vector<16xi32>], vector<16xf32>,
    %get3A_93 = arith.constant 64 : index
    %get3A_94 = tpu.vector_load %arg11[%get3A_93] {strides = array<i32>} : memref<128xi32, #tpu.memory_space<vmem>>, vector<16xi32>,
    tpu.vector_store_idx %arg20[%get3A_94], %broadcast_in_dim3A_5 {add = true} : memref<10128xf32, #tpu.memory_space<vmem>>[vector<16xi32>], vector<16xf32>,
    %get3A_95 = arith.constant 80 : index
    %get3A_96 = tpu.vector_load %arg11[%get3A_95] {strides = array<i32>} : memref<128xi32, #tpu.memory_space<vmem>>, vector<16xi32>,
    tpu.vector_store_idx %arg20[%get3A_96], %broadcast_in_dim3A_5 {add = true} : memref<10128xf32, #tpu.memory_space<vmem>>[vector<16xi32>], vector<16xf32>,
    %get3A_97 = arith.constant 96 : index
    %get3A_98 = tpu.vector_load %arg11[%get3A_97] {strides = array<i32>} : memref<128xi32, #tpu.memory_space<vmem>>, vector<16xi32>,
    tpu.vector_store_idx %arg20[%get3A_98], %broadcast_in_dim3A_5 {add = true} : memref<10128xf32, #tpu.memory_space<vmem>>[vector<16xi32>], vector<16xf32>,
    %get3A_99 = arith.constant 112 : index
    %get3A_100 = tpu.vector_load %arg11[%get3A_99] {strides = array<i32>} : memref<128xi32, #tpu.memory_space<vmem>>, vector<16xi32>,
    tpu.vector_store_idx %arg20[%get3A_100], %broadcast_in_dim3A_5 {add = true} : memref<10128xf32, #tpu.memory_space<vmem>>[vector<16xi32>], vector<16xf32>,
    %dma_wait3A_101 = arith.constant 0 : i32
    %dma_wait3A_102 = arith.constant 0 : i32
    %dma_wait3A_103 = tpu.memref_slice %arg2[%dma_wait3A_101, %dma_wait3A_102] : memref<10000x128xf32, #tpu.memory_space<hbm>> -> memref<10000x128xf32, #tpu.memory_space<hbm>>
    tpu.wait_indirect_dma semaphore(%arg22 : memref<!tpu.dma_semaphore, #tpu.memory_space<semaphore_mem>>) src(%dma_wait3A_103 : memref<10000x128xf32, #tpu.memory_space<hbm>>) dst(%arg19 : memref<128x128xf32, #tpu.memory_space<vmem>>)
    "tpu.region"() ({
      %run_scoped3A = tpu.sem_alloc : memref<!tpu.dma_semaphore, #tpu.memory_space<semaphore_mem>>
      %dma_start3A_138 = arith.constant 0 : i32
      %dma_start3A_139 = arith.constant 0 : i32
      %dma_start3A_140 = tpu.memref_slice %arg9[%dma_start3A_138, %dma_start3A_139] : memref<10128x128xf32, #tpu.memory_space<vmem_shared>> -> memref<10128x128xf32, #tpu.memory_space<vmem_shared>>
      tpu.enqueue_indirect_dma source(%arg19 : memref<128x128xf32, #tpu.memory_space<vmem>>) target(%dma_start3A_140 : memref<10128x128xf32, #tpu.memory_space<vmem_shared>>) offsets(%arg11 : memref<128xi32, #tpu.memory_space<vmem>>) semaphore(%run_scoped3A : memref<!tpu.dma_semaphore, #tpu.memory_space<semaphore_mem>>) {add = true}
      %dma_wait3A_141 = arith.constant 0 : i32
      %dma_wait3A_142 = arith.constant 0 : i32
      %dma_wait3A_143 = tpu.memref_slice %arg9[%dma_wait3A_141, %dma_wait3A_142] : memref<10128x128xf32, #tpu.memory_space<vmem_shared>> -> memref<10128x128xf32, #tpu.memory_space<vmem_shared>>
      tpu.wait_indirect_dma semaphore(%run_scoped3A : memref<!tpu.dma_semaphore, #tpu.memory_space<semaphore_mem>>) src(%arg19 : memref<128x128xf32, #tpu.memory_space<vmem>>) dst(%dma_wait3A_143 : memref<10128x128xf32, #tpu.memory_space<vmem_shared>>)
      tpu.yield
    }) : () -> ()
    %get3A_104 = arith.constant 0 : index
    %get3A_105 = tpu.vector_load %arg12[%get3A_104] {strides = array<i32>} : memref<128xi32, #tpu.memory_space<vmem>>, vector<16xi32>,
    tpu.vector_store_idx %arg20[%get3A_105], %broadcast_in_dim3A_5 {add = true} : memref<10128xf32, #tpu.memory_space<vmem>>[vector<16xi32>], vector<16xf32>,
    %get3A_106 = arith.constant 16 : index
    %get3A_107 = tpu.vector_load %arg12[%get3A_106] {strides = array<i32>} : memref<128xi32, #tpu.memory_space<vmem>>, vector<16xi32>,
    tpu.vector_store_idx %arg20[%get3A_107], %broadcast_in_dim3A_5 {add = true} : memref<10128xf32, #tpu.memory_space<vmem>>[vector<16xi32>], vector<16xf32>,
    %get3A_108 = arith.constant 32 : index
    %get3A_109 = tpu.vector_load %arg12[%get3A_108] {strides = array<i32>} : memref<128xi32, #tpu.memory_space<vmem>>, vector<16xi32>,
    tpu.vector_store_idx %arg20[%get3A_109], %broadcast_in_dim3A_5 {add = true} : memref<10128xf32, #tpu.memory_space<vmem>>[vector<16xi32>], vector<16xf32>,
    %get3A_110 = arith.constant 48 : index
    %get3A_111 = tpu.vector_load %arg12[%get3A_110] {strides = array<i32>} : memref<128xi32, #tpu.memory_space<vmem>>, vector<16xi32>,
    tpu.vector_store_idx %arg20[%get3A_111], %broadcast_in_dim3A_5 {add = true} : memref<10128xf32, #tpu.memory_space<vmem>>[vector<16xi32>], vector<16xf32>,
    %get3A_112 = arith.constant 64 : index
    %get3A_113 = tpu.vector_load %arg12[%get3A_112] {strides = array<i32>} : memref<128xi32, #tpu.memory_space<vmem>>, vector<16xi32>,
    tpu.vector_store_idx %arg20[%get3A_113], %broadcast_in_dim3A_5 {add = true} : memref<10128xf32, #tpu.memory_space<vmem>>[vector<16xi32>], vector<16xf32>,
    %get3A_114 = arith.constant 80 : index
    %get3A_115 = tpu.vector_load %arg12[%get3A_114] {strides = array<i32>} : memref<128xi32, #tpu.memory_space<vmem>>, vector<16xi32>,
    tpu.vector_store_idx %arg20[%get3A_115], %broadcast_in_dim3A_5 {add = true} : memref<10128xf32, #tpu.memory_space<vmem>>[vector<16xi32>], vector<16xf32>,
    %get3A_116 = arith.constant 96 : index
    %get3A_117 = tpu.vector_load %arg12[%get3A_116] {strides = array<i32>} : memref<128xi32, #tpu.memory_space<vmem>>, vector<16xi32>,
    tpu.vector_store_idx %arg20[%get3A_117], %broadcast_in_dim3A_5 {add = true} : memref<10128xf32, #tpu.memory_space<vmem>>[vector<16xi32>], vector<16xf32>,
    %get3A_118 = arith.constant 112 : index
    %get3A_119 = tpu.vector_load %arg12[%get3A_118] {strides = array<i32>} : memref<128xi32, #tpu.memory_space<vmem>>, vector<16xi32>,
    tpu.vector_store_idx %arg20[%get3A_119], %broadcast_in_dim3A_5 {add = true} : memref<10128xf32, #tpu.memory_space<vmem>>[vector<16xi32>], vector<16xf32>,
    %dma_wait3A_120 = arith.constant 0 : i32
    %dma_wait3A_121 = arith.constant 0 : i32
    %dma_wait3A_122 = tpu.memref_slice %arg2[%dma_wait3A_120, %dma_wait3A_121] : memref<10000x128xf32, #tpu.memory_space<hbm>> -> memref<10000x128xf32, #tpu.memory_space<hbm>>
    tpu.wait_indirect_dma semaphore(%arg21 : memref<!tpu.dma_semaphore, #tpu.memory_space<semaphore_mem>>) src(%dma_wait3A_122 : memref<10000x128xf32, #tpu.memory_space<hbm>>) dst(%arg18 : memref<128x128xf32, #tpu.memory_space<vmem>>)
    "tpu.region"() ({
      %run_scoped3A = tpu.sem_alloc : memref<!tpu.dma_semaphore, #tpu.memory_space<semaphore_mem>>
      %dma_start3A_138 = arith.constant 0 : i32
      %dma_start3A_139 = arith.constant 0 : i32
      %dma_start3A_140 = tpu.memref_slice %arg9[%dma_start3A_138, %dma_start3A_139] : memref<10128x128xf32, #tpu.memory_space<vmem_shared>> -> memref<10128x128xf32, #tpu.memory_space<vmem_shared>>
      tpu.enqueue_indirect_dma source(%arg18 : memref<128x128xf32, #tpu.memory_space<vmem>>) target(%dma_start3A_140 : memref<10128x128xf32, #tpu.memory_space<vmem_shared>>) offsets(%arg12 : memref<128xi32, #tpu.memory_space<vmem>>) semaphore(%run_scoped3A : memref<!tpu.dma_semaphore, #tpu.memory_space<semaphore_mem>>) {add = true}
      %dma_wait3A_141 = arith.constant 0 : i32
      %dma_wait3A_142 = arith.constant 0 : i32
      %dma_wait3A_143 = tpu.memref_slice %arg9[%dma_wait3A_141, %dma_wait3A_142] : memref<10128x128xf32, #tpu.memory_space<vmem_shared>> -> memref<10128x128xf32, #tpu.memory_space<vmem_shared>>
      tpu.wait_indirect_dma semaphore(%run_scoped3A : memref<!tpu.dma_semaphore, #tpu.memory_space<semaphore_mem>>) src(%arg18 : memref<128x128xf32, #tpu.memory_space<vmem>>) dst(%dma_wait3A_143 : memref<10128x128xf32, #tpu.memory_space<vmem_shared>>)
      tpu.yield
    }) : () -> ()
    %add3A_123 = arith.constant 10112 : i32
    %add3A_124 = arith.addi %multiple_of3A, %add3A_123 : i32
    %multiple_of3A_125 = tpu.assume_multiple %add3A_124, 8 : i32
    %dma_wait3A_126 = tpu.memref_slice %arg3[%multiple_of3A_125] : memref<323712xi32, #tpu.memory_space<hbm>> -> memref<128xi32, #tpu.memory_space<hbm>>
    %dma_wait3A_127 = tpu.memref_slice %arg3[%multiple_of3A_125] : memref<323712xi32, #tpu.memory_space<hbm>> -> memref<128xi32, #tpu.memory_space<hbm>>
    tpu.wait_dma2 semaphore(%arg26 : memref<!tpu.dma_semaphore, #tpu.memory_space<semaphore_mem>>) src(%dma_wait3A_127 : memref<128xi32, #tpu.memory_space<hbm>>) dst(%arg13 : memref<128xi32, #tpu.memory_space<vmem>>)
    %dma_wait3A_128 = tpu.memref_slice %arg4[%multiple_of3A_125] : memref<323712xi32, #tpu.memory_space<hbm>> -> memref<128xi32, #tpu.memory_space<hbm>>
    %dma_wait3A_129 = tpu.memref_slice %arg4[%multiple_of3A_125] : memref<323712xi32, #tpu.memory_space<hbm>> -> memref<128xi32, #tpu.memory_space<hbm>>
    tpu.wait_dma2 semaphore(%arg26 : memref<!tpu.dma_semaphore, #tpu.memory_space<semaphore_mem>>) src(%dma_wait3A_129 : memref<128xi32, #tpu.memory_space<hbm>>) dst(%arg17 : memref<128xi32, #tpu.memory_space<vmem>>)
    %mul3A_130 = arith.constant 10128 : i32
    %mul3A_131 = arith.muli %add3A, %mul3A_130 : i32
    %multiple_of3A_132 = tpu.assume_multiple %mul3A_131, 8 : i32
    "tpu.region"() ({
      %run_scoped3A = tpu.sem_alloc : memref<!tpu.dma_semaphore, #tpu.memory_space<semaphore_mem>>
      %dma_start3A_138 = tpu.memref_slice %arg8[%multiple_of3A_132] : memref<324096xf32, #tpu.memory_space<hbm>> -> memref<10128xf32, #tpu.memory_space<hbm>>
      %dma_start3A_139 = tpu.memref_slice %arg8[%multiple_of3A_132] : memref<324096xf32, #tpu.memory_space<hbm>> -> memref<10128xf32, #tpu.memory_space<hbm>>
      tpu.enqueue_dma source(%arg20 : memref<10128xf32, #tpu.memory_space<vmem>>) target(%dma_start3A_139 : memref<10128xf32, #tpu.memory_space<hbm>>) target_semaphore(%run_scoped3A : memref<!tpu.dma_semaphore, #tpu.memory_space<semaphore_mem>>)
      %dma_wait3A_140 = tpu.memref_slice %arg8[%multiple_of3A_132] : memref<324096xf32, #tpu.memory_space<hbm>> -> memref<10128xf32, #tpu.memory_space<hbm>>
      %dma_wait3A_141 = tpu.memref_slice %arg8[%multiple_of3A_132] : memref<324096xf32, #tpu.memory_space<hbm>> -> memref<10128xf32, #tpu.memory_space<hbm>>
      tpu.wait_dma2 semaphore(%run_scoped3A : memref<!tpu.dma_semaphore, #tpu.memory_space<semaphore_mem>>) src(%arg20 : memref<10128xf32, #tpu.memory_space<vmem>>) dst(%dma_wait3A_141 : memref<10128xf32, #tpu.memory_space<hbm>>)
      tpu.yield
    }) : () -> ()
    %barrier3A_133 = arith.constant 0 : index
    tpu.barrier barrier_id(%barrier3A_133)
    %lt3A = arith.constant 10 : i32
    %lt3A_134 = arith.cmpi slt, %arg1, %lt3A : i32
    %convert_element_type3A_135 = arith.extui %lt3A_134 : i1 to i32
    %cond3A_136 = arith.constant 0 : i32
    %cond3A_137 = arith.cmpi ne, %convert_element_type3A_135, %cond3A_136 : i32
    scf.if %cond3A_137 {
      %mul3A_138 = arith.constant 1000 : i32
      %mul3A_139 = arith.muli %arg1, %mul3A_138 : i32
      %add3A_140 = arith.constant 0 : i32
      %add3A_141 = arith.addi %mul3A_139, %add3A_140 : i32
      %multiple_of3A_142 = tpu.assume_multiple %add3A_141, 8 : i32
      "tpu.region"() ({
        %run_scoped3A = tpu.sem_alloc : memref<!tpu.dma_semaphore, #tpu.memory_space<semaphore_mem>>
        %dma_start3A_178 = arith.constant 0 : i32
        %dma_start3A_179 = tpu.memref_slice %arg9[%multiple_of3A_142, %dma_start3A_178] : memref<10128x128xf32, #tpu.memory_space<vmem_shared>> -> memref<128x128xf32, #tpu.memory_space<vmem_shared>>
        %dma_start3A_180 = arith.constant 0 : i32
        %dma_start3A_181 = tpu.memref_slice %arg9[%multiple_of3A_142, %dma_start3A_180] : memref<10128x128xf32, #tpu.memory_space<vmem_shared>> -> memref<128x128xf32, #tpu.memory_space<vmem_shared>>
        tpu.enqueue_dma source(%dma_start3A_181 : memref<128x128xf32, #tpu.memory_space<vmem_shared>>) target(%arg18 : memref<128x128xf32, #tpu.memory_space<vmem>>) target_semaphore(%run_scoped3A : memref<!tpu.dma_semaphore, #tpu.memory_space<semaphore_mem>>)
        %dma_wait3A_182 = arith.constant 0 : i32
        %dma_wait3A_183 = tpu.memref_slice %arg9[%multiple_of3A_142, %dma_wait3A_182] : memref<10128x128xf32, #tpu.memory_space<vmem_shared>> -> memref<128x128xf32, #tpu.memory_space<vmem_shared>>
        %dma_wait3A_184 = arith.constant 0 : i32
        %dma_wait3A_185 = tpu.memref_slice %arg9[%multiple_of3A_142, %dma_wait3A_184] : memref<10128x128xf32, #tpu.memory_space<vmem_shared>> -> memref<128x128xf32, #tpu.memory_space<vmem_shared>>
        tpu.wait_dma2 semaphore(%run_scoped3A : memref<!tpu.dma_semaphore, #tpu.memory_space<semaphore_mem>>) src(%dma_wait3A_185 : memref<128x128xf32, #tpu.memory_space<vmem_shared>>) dst(%arg18 : memref<128x128xf32, #tpu.memory_space<vmem>>)
        tpu.yield
      }) : () -> ()
      "tpu.region"() ({
        %run_scoped3A = tpu.sem_alloc : memref<!tpu.dma_semaphore, #tpu.memory_space<semaphore_mem>>
        %dma_start3A_178 = arith.constant 0 : i32
        %dma_start3A_179 = tpu.memref_slice %arg7[%arg0, %multiple_of3A_142, %dma_start3A_178] : memref<2x10000x128xf32, #tpu.memory_space<hbm>> -> memref<1x128x128xf32, #tpu.memory_space<hbm>>
        %dma_start3A_180 = tpu.memref_squeeze %dma_start3A_179 : memref<1x128x128xf32, #tpu.memory_space<hbm>> -> memref<128x128xf32, #tpu.memory_space<hbm>>
        %dma_start3A_181 = arith.constant 0 : i32
        %dma_start3A_182 = tpu.memref_slice %arg7[%arg0, %multiple_of3A_142, %dma_start3A_181] : memref<2x10000x128xf32, #tpu.memory_space<hbm>> -> memref<1x128x128xf32, #tpu.memory_space<hbm>>
        %dma_start3A_183 = tpu.memref_squeeze %dma_start3A_182 : memref<1x128x128xf32, #tpu.memory_space<hbm>> -> memref<128x128xf32, #tpu.memory_space<hbm>>
        tpu.enqueue_dma source(%arg18 : memref<128x128xf32, #tpu.memory_space<vmem>>) target(%dma_start3A_183 : memref<128x128xf32, #tpu.memory_space<hbm>>) target_semaphore(%run_scoped3A : memref<!tpu.dma_semaphore, #tpu.memory_space<semaphore_mem>>)
        %dma_wait3A_184 = arith.constant 0 : i32
        %dma_wait3A_185 = tpu.memref_slice %arg7[%arg0, %multiple_of3A_142, %dma_wait3A_184] : memref<2x10000x128xf32, #tpu.memory_space<hbm>> -> memref<1x128x128xf32, #tpu.memory_space<hbm>>
        %dma_wait3A_186 = tpu.memref_squeeze %dma_wait3A_185 : memref<1x128x128xf32, #tpu.memory_space<hbm>> -> memref<128x128xf32, #tpu.memory_space<hbm>>
        %dma_wait3A_187 = arith.constant 0 : i32
        %dma_wait3A_188 = tpu.memref_slice %arg7[%arg0, %multiple_of3A_142, %dma_wait3A_187] : memref<2x10000x128xf32, #tpu.memory_space<hbm>> -> memref<1x128x128xf32, #tpu.memory_space<hbm>>
        %dma_wait3A_189 = tpu.memref_squeeze %dma_wait3A_188 : memref<1x128x128xf32, #tpu.memory_space<hbm>> -> memref<128x128xf32, #tpu.memory_space<hbm>>
        tpu.wait_dma2 semaphore(%run_scoped3A : memref<!tpu.dma_semaphore, #tpu.memory_space<semaphore_mem>>) src(%arg18 : memref<128x128xf32, #tpu.memory_space<vmem>>) dst(%dma_wait3A_189 : memref<128x128xf32, #tpu.memory_space<hbm>>)
        tpu.yield
      }) : () -> ()
      %mul3A_143 = arith.constant 1000 : i32
      %mul3A_144 = arith.muli %arg1, %mul3A_143 : i32
      %add3A_145 = arith.constant 128 : i32
      %add3A_146 = arith.addi %mul3A_144, %add3A_145 : i32
      %multiple_of3A_147 = tpu.assume_multiple %add3A_146, 8 : i32
      "tpu.region"() ({
        %run_scoped3A = tpu.sem_alloc : memref<!tpu.dma_semaphore, #tpu.memory_space<semaphore_mem>>
        %dma_start3A_178 = arith.constant 0 : i32
        %dma_start3A_179 = tpu.memref_slice %arg9[%multiple_of3A_147, %dma_start3A_178] : memref<10128x128xf32, #tpu.memory_space<vmem_shared>> -> memref<128x128xf32, #tpu.memory_space<vmem_shared>>
        %dma_start3A_180 = arith.constant 0 : i32
        %dma_start3A_181 = tpu.memref_slice %arg9[%multiple_of3A_147, %dma_start3A_180] : memref<10128x128xf32, #tpu.memory_space<vmem_shared>> -> memref<128x128xf32, #tpu.memory_space<vmem_shared>>
        tpu.enqueue_dma source(%dma_start3A_181 : memref<128x128xf32, #tpu.memory_space<vmem_shared>>) target(%arg18 : memref<128x128xf32, #tpu.memory_space<vmem>>) target_semaphore(%run_scoped3A : memref<!tpu.dma_semaphore, #tpu.memory_space<semaphore_mem>>)
        %dma_wait3A_182 = arith.constant 0 : i32
        %dma_wait3A_183 = tpu.memref_slice %arg9[%multiple_of3A_147, %dma_wait3A_182] : memref<10128x128xf32, #tpu.memory_space<vmem_shared>> -> memref<128x128xf32, #tpu.memory_space<vmem_shared>>
        %dma_wait3A_184 = arith.constant 0 : i32
        %dma_wait3A_185 = tpu.memref_slice %arg9[%multiple_of3A_147, %dma_wait3A_184] : memref<10128x128xf32, #tpu.memory_space<vmem_shared>> -> memref<128x128xf32, #tpu.memory_space<vmem_shared>>
        tpu.wait_dma2 semaphore(%run_scoped3A : memref<!tpu.dma_semaphore, #tpu.memory_space<semaphore_mem>>) src(%dma_wait3A_185 : memref<128x128xf32, #tpu.memory_space<vmem_shared>>) dst(%arg18 : memref<128x128xf32, #tpu.memory_space<vmem>>)
        tpu.yield
      }) : () -> ()
      "tpu.region"() ({
        %run_scoped3A = tpu.sem_alloc : memref<!tpu.dma_semaphore, #tpu.memory_space<semaphore_mem>>
        %dma_start3A_178 = arith.constant 0 : i32
        %dma_start3A_179 = tpu.memref_slice %arg7[%arg0, %multiple_of3A_147, %dma_start3A_178] : memref<2x10000x128xf32, #tpu.memory_space<hbm>> -> memref<1x128x128xf32, #tpu.memory_space<hbm>>
        %dma_start3A_180 = tpu.memref_squeeze %dma_start3A_179 : memref<1x128x128xf32, #tpu.memory_space<hbm>> -> memref<128x128xf32, #tpu.memory_space<hbm>>
        %dma_start3A_181 = arith.constant 0 : i32
        %dma_start3A_182 = tpu.memref_slice %arg7[%arg0, %multiple_of3A_147, %dma_start3A_181] : memref<2x10000x128xf32, #tpu.memory_space<hbm>> -> memref<1x128x128xf32, #tpu.memory_space<hbm>>
        %dma_start3A_183 = tpu.memref_squeeze %dma_start3A_182 : memref<1x128x128xf32, #tpu.memory_space<hbm>> -> memref<128x128xf32, #tpu.memory_space<hbm>>
        tpu.enqueue_dma source(%arg18 : memref<128x128xf32, #tpu.memory_space<vmem>>) target(%dma_start3A_183 : memref<128x128xf32, #tpu.memory_space<hbm>>) target_semaphore(%run_scoped3A : memref<!tpu.dma_semaphore, #tpu.memory_space<semaphore_mem>>)
        %dma_wait3A_184 = arith.constant 0 : i32
        %dma_wait3A_185 = tpu.memref_slice %arg7[%arg0, %multiple_of3A_147, %dma_wait3A_184] : memref<2x10000x128xf32, #tpu.memory_space<hbm>> -> memref<1x128x128xf32, #tpu.memory_space<hbm>>
        %dma_wait3A_186 = tpu.memref_squeeze %dma_wait3A_185 : memref<1x128x128xf32, #tpu.memory_space<hbm>> -> memref<128x128xf32, #tpu.memory_space<hbm>>
        %dma_wait3A_187 = arith.constant 0 : i32
        %dma_wait3A_188 = tpu.memref_slice %arg7[%arg0, %multiple_of3A_147, %dma_wait3A_187] : memref<2x10000x128xf32, #tpu.memory_space<hbm>> -> memref<1x128x128xf32, #tpu.memory_space<hbm>>
        %dma_wait3A_189 = tpu.memref_squeeze %dma_wait3A_188 : memref<1x128x128xf32, #tpu.memory_space<hbm>> -> memref<128x128xf32, #tpu.memory_space<hbm>>
        tpu.wait_dma2 semaphore(%run_scoped3A : memref<!tpu.dma_semaphore, #tpu.memory_space<semaphore_mem>>) src(%arg18 : memref<128x128xf32, #tpu.memory_space<vmem>>) dst(%dma_wait3A_189 : memref<128x128xf32, #tpu.memory_space<hbm>>)
        tpu.yield
      }) : () -> ()
      %mul3A_148 = arith.constant 1000 : i32
      %mul3A_149 = arith.muli %arg1, %mul3A_148 : i32
      %add3A_150 = arith.constant 256 : i32
      %add3A_151 = arith.addi %mul3A_149, %add3A_150 : i32
      %multiple_of3A_152 = tpu.assume_multiple %add3A_151, 8 : i32
      "tpu.region"() ({
        %run_scoped3A = tpu.sem_alloc : memref<!tpu.dma_semaphore, #tpu.memory_space<semaphore_mem>>
        %dma_start3A_178 = arith.constant 0 : i32
        %dma_start3A_179 = tpu.memref_slice %arg9[%multiple_of3A_152, %dma_start3A_178] : memref<10128x128xf32, #tpu.memory_space<vmem_shared>> -> memref<128x128xf32, #tpu.memory_space<vmem_shared>>
        %dma_start3A_180 = arith.constant 0 : i32
        %dma_start3A_181 = tpu.memref_slice %arg9[%multiple_of3A_152, %dma_start3A_180] : memref<10128x128xf32, #tpu.memory_space<vmem_shared>> -> memref<128x128xf32, #tpu.memory_space<vmem_shared>>
        tpu.enqueue_dma source(%dma_start3A_181 : memref<128x128xf32, #tpu.memory_space<vmem_shared>>) target(%arg18 : memref<128x128xf32, #tpu.memory_space<vmem>>) target_semaphore(%run_scoped3A : memref<!tpu.dma_semaphore, #tpu.memory_space<semaphore_mem>>)
        %dma_wait3A_182 = arith.constant 0 : i32
        %dma_wait3A_183 = tpu.memref_slice %arg9[%multiple_of3A_152, %dma_wait3A_182] : memref<10128x128xf32, #tpu.memory_space<vmem_shared>> -> memref<128x128xf32, #tpu.memory_space<vmem_shared>>
        %dma_wait3A_184 = arith.constant 0 : i32
        %dma_wait3A_185 = tpu.memref_slice %arg9[%multiple_of3A_152, %dma_wait3A_184] : memref<10128x128xf32, #tpu.memory_space<vmem_shared>> -> memref<128x128xf32, #tpu.memory_space<vmem_shared>>
        tpu.wait_dma2 semaphore(%run_scoped3A : memref<!tpu.dma_semaphore, #tpu.memory_space<semaphore_mem>>) src(%dma_wait3A_185 : memref<128x128xf32, #tpu.memory_space<vmem_shared>>) dst(%arg18 : memref<128x128xf32, #tpu.memory_space<vmem>>)
        tpu.yield
      }) : () -> ()
      "tpu.region"() ({
        %run_scoped3A = tpu.sem_alloc : memref<!tpu.dma_semaphore, #tpu.memory_space<semaphore_mem>>
        %dma_start3A_178 = arith.constant 0 : i32
        %dma_start3A_179 = tpu.memref_slice %arg7[%arg0, %multiple_of3A_152, %dma_start3A_178] : memref<2x10000x128xf32, #tpu.memory_space<hbm>> -> memref<1x128x128xf32, #tpu.memory_space<hbm>>
        %dma_start3A_180 = tpu.memref_squeeze %dma_start3A_179 : memref<1x128x128xf32, #tpu.memory_space<hbm>> -> memref<128x128xf32, #tpu.memory_space<hbm>>
        %dma_start3A_181 = arith.constant 0 : i32
        %dma_start3A_182 = tpu.memref_slice %arg7[%arg0, %multiple_of3A_152, %dma_start3A_181] : memref<2x10000x128xf32, #tpu.memory_space<hbm>> -> memref<1x128x128xf32, #tpu.memory_space<hbm>>
        %dma_start3A_183 = tpu.memref_squeeze %dma_start3A_182 : memref<1x128x128xf32, #tpu.memory_space<hbm>> -> memref<128x128xf32, #tpu.memory_space<hbm>>
        tpu.enqueue_dma source(%arg18 : memref<128x128xf32, #tpu.memory_space<vmem>>) target(%dma_start3A_183 : memref<128x128xf32, #tpu.memory_space<hbm>>) target_semaphore(%run_scoped3A : memref<!tpu.dma_semaphore, #tpu.memory_space<semaphore_mem>>)
        %dma_wait3A_184 = arith.constant 0 : i32
        %dma_wait3A_185 = tpu.memref_slice %arg7[%arg0, %multiple_of3A_152, %dma_wait3A_184] : memref<2x10000x128xf32, #tpu.memory_space<hbm>> -> memref<1x128x128xf32, #tpu.memory_space<hbm>>
        %dma_wait3A_186 = tpu.memref_squeeze %dma_wait3A_185 : memref<1x128x128xf32, #tpu.memory_space<hbm>> -> memref<128x128xf32, #tpu.memory_space<hbm>>
        %dma_wait3A_187 = arith.constant 0 : i32
        %dma_wait3A_188 = tpu.memref_slice %arg7[%arg0, %multiple_of3A_152, %dma_wait3A_187] : memref<2x10000x128xf32, #tpu.memory_space<hbm>> -> memref<1x128x128xf32, #tpu.memory_space<hbm>>
        %dma_wait3A_189 = tpu.memref_squeeze %dma_wait3A_188 : memref<1x128x128xf32, #tpu.memory_space<hbm>> -> memref<128x128xf32, #tpu.memory_space<hbm>>
        tpu.wait_dma2 semaphore(%run_scoped3A : memref<!tpu.dma_semaphore, #tpu.memory_space<semaphore_mem>>) src(%arg18 : memref<128x128xf32, #tpu.memory_space<vmem>>) dst(%dma_wait3A_189 : memref<128x128xf32, #tpu.memory_space<hbm>>)
        tpu.yield
      }) : () -> ()
      %mul3A_153 = arith.constant 1000 : i32
      %mul3A_154 = arith.muli %arg1, %mul3A_153 : i32
      %add3A_155 = arith.constant 384 : i32
      %add3A_156 = arith.addi %mul3A_154, %add3A_155 : i32
      %multiple_of3A_157 = tpu.assume_multiple %add3A_156, 8 : i32
      "tpu.region"() ({
        %run_scoped3A = tpu.sem_alloc : memref<!tpu.dma_semaphore, #tpu.memory_space<semaphore_mem>>
        %dma_start3A_178 = arith.constant 0 : i32
        %dma_start3A_179 = tpu.memref_slice %arg9[%multiple_of3A_157, %dma_start3A_178] : memref<10128x128xf32, #tpu.memory_space<vmem_shared>> -> memref<128x128xf32, #tpu.memory_space<vmem_shared>>
        %dma_start3A_180 = arith.constant 0 : i32
        %dma_start3A_181 = tpu.memref_slice %arg9[%multiple_of3A_157, %dma_start3A_180] : memref<10128x128xf32, #tpu.memory_space<vmem_shared>> -> memref<128x128xf32, #tpu.memory_space<vmem_shared>>
        tpu.enqueue_dma source(%dma_start3A_181 : memref<128x128xf32, #tpu.memory_space<vmem_shared>>) target(%arg18 : memref<128x128xf32, #tpu.memory_space<vmem>>) target_semaphore(%run_scoped3A : memref<!tpu.dma_semaphore, #tpu.memory_space<semaphore_mem>>)
        %dma_wait3A_182 = arith.constant 0 : i32
        %dma_wait3A_183 = tpu.memref_slice %arg9[%multiple_of3A_157, %dma_wait3A_182] : memref<10128x128xf32, #tpu.memory_space<vmem_shared>> -> memref<128x128xf32, #tpu.memory_space<vmem_shared>>
        %dma_wait3A_184 = arith.constant 0 : i32
        %dma_wait3A_185 = tpu.memref_slice %arg9[%multiple_of3A_157, %dma_wait3A_184] : memref<10128x128xf32, #tpu.memory_space<vmem_shared>> -> memref<128x128xf32, #tpu.memory_space<vmem_shared>>
        tpu.wait_dma2 semaphore(%run_scoped3A : memref<!tpu.dma_semaphore, #tpu.memory_space<semaphore_mem>>) src(%dma_wait3A_185 : memref<128x128xf32, #tpu.memory_space<vmem_shared>>) dst(%arg18 : memref<128x128xf32, #tpu.memory_space<vmem>>)
        tpu.yield
      }) : () -> ()
      "tpu.region"() ({
        %run_scoped3A = tpu.sem_alloc : memref<!tpu.dma_semaphore, #tpu.memory_space<semaphore_mem>>
        %dma_start3A_178 = arith.constant 0 : i32
        %dma_start3A_179 = tpu.memref_slice %arg7[%arg0, %multiple_of3A_157, %dma_start3A_178] : memref<2x10000x128xf32, #tpu.memory_space<hbm>> -> memref<1x128x128xf32, #tpu.memory_space<hbm>>
        %dma_start3A_180 = tpu.memref_squeeze %dma_start3A_179 : memref<1x128x128xf32, #tpu.memory_space<hbm>> -> memref<128x128xf32, #tpu.memory_space<hbm>>
        %dma_start3A_181 = arith.constant 0 : i32
        %dma_start3A_182 = tpu.memref_slice %arg7[%arg0, %multiple_of3A_157, %dma_start3A_181] : memref<2x10000x128xf32, #tpu.memory_space<hbm>> -> memref<1x128x128xf32, #tpu.memory_space<hbm>>
        %dma_start3A_183 = tpu.memref_squeeze %dma_start3A_182 : memref<1x128x128xf32, #tpu.memory_space<hbm>> -> memref<128x128xf32, #tpu.memory_space<hbm>>
        tpu.enqueue_dma source(%arg18 : memref<128x128xf32, #tpu.memory_space<vmem>>) target(%dma_start3A_183 : memref<128x128xf32, #tpu.memory_space<hbm>>) target_semaphore(%run_scoped3A : memref<!tpu.dma_semaphore, #tpu.memory_space<semaphore_mem>>)
        %dma_wait3A_184 = arith.constant 0 : i32
        %dma_wait3A_185 = tpu.memref_slice %arg7[%arg0, %multiple_of3A_157, %dma_wait3A_184] : memref<2x10000x128xf32, #tpu.memory_space<hbm>> -> memref<1x128x128xf32, #tpu.memory_space<hbm>>
        %dma_wait3A_186 = tpu.memref_squeeze %dma_wait3A_185 : memref<1x128x128xf32, #tpu.memory_space<hbm>> -> memref<128x128xf32, #tpu.memory_space<hbm>>
        %dma_wait3A_187 = arith.constant 0 : i32
        %dma_wait3A_188 = tpu.memref_slice %arg7[%arg0, %multiple_of3A_157, %dma_wait3A_187] : memref<2x10000x128xf32, #tpu.memory_space<hbm>> -> memref<1x128x128xf32, #tpu.memory_space<hbm>>
        %dma_wait3A_189 = tpu.memref_squeeze %dma_wait3A_188 : memref<1x128x128xf32, #tpu.memory_space<hbm>> -> memref<128x128xf32, #tpu.memory_space<hbm>>
        tpu.wait_dma2 semaphore(%run_scoped3A : memref<!tpu.dma_semaphore, #tpu.memory_space<semaphore_mem>>) src(%arg18 : memref<128x128xf32, #tpu.memory_space<vmem>>) dst(%dma_wait3A_189 : memref<128x128xf32, #tpu.memory_space<hbm>>)
        tpu.yield
      }) : () -> ()
      %mul3A_158 = arith.constant 1000 : i32
      %mul3A_159 = arith.muli %arg1, %mul3A_158 : i32
      %add3A_160 = arith.constant 512 : i32
      %add3A_161 = arith.addi %mul3A_159, %add3A_160 : i32
      %multiple_of3A_162 = tpu.assume_multiple %add3A_161, 8 : i32
      "tpu.region"() ({
        %run_scoped3A = tpu.sem_alloc : memref<!tpu.dma_semaphore, #tpu.memory_space<semaphore_mem>>
        %dma_start3A_178 = arith.constant 0 : i32
        %dma_start3A_179 = tpu.memref_slice %arg9[%multiple_of3A_162, %dma_start3A_178] : memref<10128x128xf32, #tpu.memory_space<vmem_shared>> -> memref<128x128xf32, #tpu.memory_space<vmem_shared>>
        %dma_start3A_180 = arith.constant 0 : i32
        %dma_start3A_181 = tpu.memref_slice %arg9[%multiple_of3A_162, %dma_start3A_180] : memref<10128x128xf32, #tpu.memory_space<vmem_shared>> -> memref<128x128xf32, #tpu.memory_space<vmem_shared>>
        tpu.enqueue_dma source(%dma_start3A_181 : memref<128x128xf32, #tpu.memory_space<vmem_shared>>) target(%arg18 : memref<128x128xf32, #tpu.memory_space<vmem>>) target_semaphore(%run_scoped3A : memref<!tpu.dma_semaphore, #tpu.memory_space<semaphore_mem>>)
        %dma_wait3A_182 = arith.constant 0 : i32
        %dma_wait3A_183 = tpu.memref_slice %arg9[%multiple_of3A_162, %dma_wait3A_182] : memref<10128x128xf32, #tpu.memory_space<vmem_shared>> -> memref<128x128xf32, #tpu.memory_space<vmem_shared>>
        %dma_wait3A_184 = arith.constant 0 : i32
        %dma_wait3A_185 = tpu.memref_slice %arg9[%multiple_of3A_162, %dma_wait3A_184] : memref<10128x128xf32, #tpu.memory_space<vmem_shared>> -> memref<128x128xf32, #tpu.memory_space<vmem_shared>>
        tpu.wait_dma2 semaphore(%run_scoped3A : memref<!tpu.dma_semaphore, #tpu.memory_space<semaphore_mem>>) src(%dma_wait3A_185 : memref<128x128xf32, #tpu.memory_space<vmem_shared>>) dst(%arg18 : memref<128x128xf32, #tpu.memory_space<vmem>>)
        tpu.yield
      }) : () -> ()
      "tpu.region"() ({
        %run_scoped3A = tpu.sem_alloc : memref<!tpu.dma_semaphore, #tpu.memory_space<semaphore_mem>>
        %dma_start3A_178 = arith.constant 0 : i32
        %dma_start3A_179 = tpu.memref_slice %arg7[%arg0, %multiple_of3A_162, %dma_start3A_178] : memref<2x10000x128xf32, #tpu.memory_space<hbm>> -> memref<1x128x128xf32, #tpu.memory_space<hbm>>
        %dma_start3A_180 = tpu.memref_squeeze %dma_start3A_179 : memref<1x128x128xf32, #tpu.memory_space<hbm>> -> memref<128x128xf32, #tpu.memory_space<hbm>>
        %dma_start3A_181 = arith.constant 0 : i32
        %dma_start3A_182 = tpu.memref_slice %arg7[%arg0, %multiple_of3A_162, %dma_start3A_181] : memref<2x10000x128xf32, #tpu.memory_space<hbm>> -> memref<1x128x128xf32, #tpu.memory_space<hbm>>
        %dma_start3A_183 = tpu.memref_squeeze %dma_start3A_182 : memref<1x128x128xf32, #tpu.memory_space<hbm>> -> memref<128x128xf32, #tpu.memory_space<hbm>>
        tpu.enqueue_dma source(%arg18 : memref<128x128xf32, #tpu.memory_space<vmem>>) target(%dma_start3A_183 : memref<128x128xf32, #tpu.memory_space<hbm>>) target_semaphore(%run_scoped3A : memref<!tpu.dma_semaphore, #tpu.memory_space<semaphore_mem>>)
        %dma_wait3A_184 = arith.constant 0 : i32
        %dma_wait3A_185 = tpu.memref_slice %arg7[%arg0, %multiple_of3A_162, %dma_wait3A_184] : memref<2x10000x128xf32, #tpu.memory_space<hbm>> -> memref<1x128x128xf32, #tpu.memory_space<hbm>>
        %dma_wait3A_186 = tpu.memref_squeeze %dma_wait3A_185 : memref<1x128x128xf32, #tpu.memory_space<hbm>> -> memref<128x128xf32, #tpu.memory_space<hbm>>
        %dma_wait3A_187 = arith.constant 0 : i32
        %dma_wait3A_188 = tpu.memref_slice %arg7[%arg0, %multiple_of3A_162, %dma_wait3A_187] : memref<2x10000x128xf32, #tpu.memory_space<hbm>> -> memref<1x128x128xf32, #tpu.memory_space<hbm>>
        %dma_wait3A_189 = tpu.memref_squeeze %dma_wait3A_188 : memref<1x128x128xf32, #tpu.memory_space<hbm>> -> memref<128x128xf32, #tpu.memory_space<hbm>>
        tpu.wait_dma2 semaphore(%run_scoped3A : memref<!tpu.dma_semaphore, #tpu.memory_space<semaphore_mem>>) src(%arg18 : memref<128x128xf32, #tpu.memory_space<vmem>>) dst(%dma_wait3A_189 : memref<128x128xf32, #tpu.memory_space<hbm>>)
        tpu.yield
      }) : () -> ()
      %mul3A_163 = arith.constant 1000 : i32
      %mul3A_164 = arith.muli %arg1, %mul3A_163 : i32
      %add3A_165 = arith.constant 640 : i32
      %add3A_166 = arith.addi %mul3A_164, %add3A_165 : i32
      %multiple_of3A_167 = tpu.assume_multiple %add3A_166, 8 : i32
      "tpu.region"() ({
        %run_scoped3A = tpu.sem_alloc : memref<!tpu.dma_semaphore, #tpu.memory_space<semaphore_mem>>
        %dma_start3A_178 = arith.constant 0 : i32
        %dma_start3A_179 = tpu.memref_slice %arg9[%multiple_of3A_167, %dma_start3A_178] : memref<10128x128xf32, #tpu.memory_space<vmem_shared>> -> memref<128x128xf32, #tpu.memory_space<vmem_shared>>
        %dma_start3A_180 = arith.constant 0 : i32
        %dma_start3A_181 = tpu.memref_slice %arg9[%multiple_of3A_167, %dma_start3A_180] : memref<10128x128xf32, #tpu.memory_space<vmem_shared>> -> memref<128x128xf32, #tpu.memory_space<vmem_shared>>
        tpu.enqueue_dma source(%dma_start3A_181 : memref<128x128xf32, #tpu.memory_space<vmem_shared>>) target(%arg18 : memref<128x128xf32, #tpu.memory_space<vmem>>) target_semaphore(%run_scoped3A : memref<!tpu.dma_semaphore, #tpu.memory_space<semaphore_mem>>)
        %dma_wait3A_182 = arith.constant 0 : i32
        %dma_wait3A_183 = tpu.memref_slice %arg9[%multiple_of3A_167, %dma_wait3A_182] : memref<10128x128xf32, #tpu.memory_space<vmem_shared>> -> memref<128x128xf32, #tpu.memory_space<vmem_shared>>
        %dma_wait3A_184 = arith.constant 0 : i32
        %dma_wait3A_185 = tpu.memref_slice %arg9[%multiple_of3A_167, %dma_wait3A_184] : memref<10128x128xf32, #tpu.memory_space<vmem_shared>> -> memref<128x128xf32, #tpu.memory_space<vmem_shared>>
        tpu.wait_dma2 semaphore(%run_scoped3A : memref<!tpu.dma_semaphore, #tpu.memory_space<semaphore_mem>>) src(%dma_wait3A_185 : memref<128x128xf32, #tpu.memory_space<vmem_shared>>) dst(%arg18 : memref<128x128xf32, #tpu.memory_space<vmem>>)
        tpu.yield
      }) : () -> ()
      "tpu.region"() ({
        %run_scoped3A = tpu.sem_alloc : memref<!tpu.dma_semaphore, #tpu.memory_space<semaphore_mem>>
        %dma_start3A_178 = arith.constant 0 : i32
        %dma_start3A_179 = tpu.memref_slice %arg7[%arg0, %multiple_of3A_167, %dma_start3A_178] : memref<2x10000x128xf32, #tpu.memory_space<hbm>> -> memref<1x128x128xf32, #tpu.memory_space<hbm>>
        %dma_start3A_180 = tpu.memref_squeeze %dma_start3A_179 : memref<1x128x128xf32, #tpu.memory_space<hbm>> -> memref<128x128xf32, #tpu.memory_space<hbm>>
        %dma_start3A_181 = arith.constant 0 : i32
        %dma_start3A_182 = tpu.memref_slice %arg7[%arg0, %multiple_of3A_167, %dma_start3A_181] : memref<2x10000x128xf32, #tpu.memory_space<hbm>> -> memref<1x128x128xf32, #tpu.memory_space<hbm>>
        %dma_start3A_183 = tpu.memref_squeeze %dma_start3A_182 : memref<1x128x128xf32, #tpu.memory_space<hbm>> -> memref<128x128xf32, #tpu.memory_space<hbm>>
        tpu.enqueue_dma source(%arg18 : memref<128x128xf32, #tpu.memory_space<vmem>>) target(%dma_start3A_183 : memref<128x128xf32, #tpu.memory_space<hbm>>) target_semaphore(%run_scoped3A : memref<!tpu.dma_semaphore, #tpu.memory_space<semaphore_mem>>)
        %dma_wait3A_184 = arith.constant 0 : i32
        %dma_wait3A_185 = tpu.memref_slice %arg7[%arg0, %multiple_of3A_167, %dma_wait3A_184] : memref<2x10000x128xf32, #tpu.memory_space<hbm>> -> memref<1x128x128xf32, #tpu.memory_space<hbm>>
        %dma_wait3A_186 = tpu.memref_squeeze %dma_wait3A_185 : memref<1x128x128xf32, #tpu.memory_space<hbm>> -> memref<128x128xf32, #tpu.memory_space<hbm>>
        %dma_wait3A_187 = arith.constant 0 : i32
        %dma_wait3A_188 = tpu.memref_slice %arg7[%arg0, %multiple_of3A_167, %dma_wait3A_187] : memref<2x10000x128xf32, #tpu.memory_space<hbm>> -> memref<1x128x128xf32, #tpu.memory_space<hbm>>
        %dma_wait3A_189 = tpu.memref_squeeze %dma_wait3A_188 : memref<1x128x128xf32, #tpu.memory_space<hbm>> -> memref<128x128xf32, #tpu.memory_space<hbm>>
        tpu.wait_dma2 semaphore(%run_scoped3A : memref<!tpu.dma_semaphore, #tpu.memory_space<semaphore_mem>>) src(%arg18 : memref<128x128xf32, #tpu.memory_space<vmem>>) dst(%dma_wait3A_189 : memref<128x128xf32, #tpu.memory_space<hbm>>)
        tpu.yield
      }) : () -> ()
      %mul3A_168 = arith.constant 1000 : i32
      %mul3A_169 = arith.muli %arg1, %mul3A_168 : i32
      %add3A_170 = arith.constant 768 : i32
      %add3A_171 = arith.addi %mul3A_169, %add3A_170 : i32
      %multiple_of3A_172 = tpu.assume_multiple %add3A_171, 8 : i32
      "tpu.region"() ({
        %run_scoped3A = tpu.sem_alloc : memref<!tpu.dma_semaphore, #tpu.memory_space<semaphore_mem>>
        %dma_start3A_178 = arith.constant 0 : i32
        %dma_start3A_179 = tpu.memref_slice %arg9[%multiple_of3A_172, %dma_start3A_178] : memref<10128x128xf32, #tpu.memory_space<vmem_shared>> -> memref<128x128xf32, #tpu.memory_space<vmem_shared>>
        %dma_start3A_180 = arith.constant 0 : i32
        %dma_start3A_181 = tpu.memref_slice %arg9[%multiple_of3A_172, %dma_start3A_180] : memref<10128x128xf32, #tpu.memory_space<vmem_shared>> -> memref<128x128xf32, #tpu.memory_space<vmem_shared>>
        tpu.enqueue_dma source(%dma_start3A_181 : memref<128x128xf32, #tpu.memory_space<vmem_shared>>) target(%arg18 : memref<128x128xf32, #tpu.memory_space<vmem>>) target_semaphore(%run_scoped3A : memref<!tpu.dma_semaphore, #tpu.memory_space<semaphore_mem>>)
        %dma_wait3A_182 = arith.constant 0 : i32
        %dma_wait3A_183 = tpu.memref_slice %arg9[%multiple_of3A_172, %dma_wait3A_182] : memref<10128x128xf32, #tpu.memory_space<vmem_shared>> -> memref<128x128xf32, #tpu.memory_space<vmem_shared>>
        %dma_wait3A_184 = arith.constant 0 : i32
        %dma_wait3A_185 = tpu.memref_slice %arg9[%multiple_of3A_172, %dma_wait3A_184] : memref<10128x128xf32, #tpu.memory_space<vmem_shared>> -> memref<128x128xf32, #tpu.memory_space<vmem_shared>>
        tpu.wait_dma2 semaphore(%run_scoped3A : memref<!tpu.dma_semaphore, #tpu.memory_space<semaphore_mem>>) src(%dma_wait3A_185 : memref<128x128xf32, #tpu.memory_space<vmem_shared>>) dst(%arg18 : memref<128x128xf32, #tpu.memory_space<vmem>>)
        tpu.yield
      }) : () -> ()
      "tpu.region"() ({
        %run_scoped3A = tpu.sem_alloc : memref<!tpu.dma_semaphore, #tpu.memory_space<semaphore_mem>>
        %dma_start3A_178 = arith.constant 0 : i32
        %dma_start3A_179 = tpu.memref_slice %arg7[%arg0, %multiple_of3A_172, %dma_start3A_178] : memref<2x10000x128xf32, #tpu.memory_space<hbm>> -> memref<1x128x128xf32, #tpu.memory_space<hbm>>
        %dma_start3A_180 = tpu.memref_squeeze %dma_start3A_179 : memref<1x128x128xf32, #tpu.memory_space<hbm>> -> memref<128x128xf32, #tpu.memory_space<hbm>>
        %dma_start3A_181 = arith.constant 0 : i32
        %dma_start3A_182 = tpu.memref_slice %arg7[%arg0, %multiple_of3A_172, %dma_start3A_181] : memref<2x10000x128xf32, #tpu.memory_space<hbm>> -> memref<1x128x128xf32, #tpu.memory_space<hbm>>
        %dma_start3A_183 = tpu.memref_squeeze %dma_start3A_182 : memref<1x128x128xf32, #tpu.memory_space<hbm>> -> memref<128x128xf32, #tpu.memory_space<hbm>>
        tpu.enqueue_dma source(%arg18 : memref<128x128xf32, #tpu.memory_space<vmem>>) target(%dma_start3A_183 : memref<128x128xf32, #tpu.memory_space<hbm>>) target_semaphore(%run_scoped3A : memref<!tpu.dma_semaphore, #tpu.memory_space<semaphore_mem>>)
        %dma_wait3A_184 = arith.constant 0 : i32
        %dma_wait3A_185 = tpu.memref_slice %arg7[%arg0, %multiple_of3A_172, %dma_wait3A_184] : memref<2x10000x128xf32, #tpu.memory_space<hbm>> -> memref<1x128x128xf32, #tpu.memory_space<hbm>>
        %dma_wait3A_186 = tpu.memref_squeeze %dma_wait3A_185 : memref<1x128x128xf32, #tpu.memory_space<hbm>> -> memref<128x128xf32, #tpu.memory_space<hbm>>
        %dma_wait3A_187 = arith.constant 0 : i32
        %dma_wait3A_188 = tpu.memref_slice %arg7[%arg0, %multiple_of3A_172, %dma_wait3A_187] : memref<2x10000x128xf32, #tpu.memory_space<hbm>> -> memref<1x128x128xf32, #tpu.memory_space<hbm>>
        %dma_wait3A_189 = tpu.memref_squeeze %dma_wait3A_188 : memref<1x128x128xf32, #tpu.memory_space<hbm>> -> memref<128x128xf32, #tpu.memory_space<hbm>>
        tpu.wait_dma2 semaphore(%run_scoped3A : memref<!tpu.dma_semaphore, #tpu.memory_space<semaphore_mem>>) src(%arg18 : memref<128x128xf32, #tpu.memory_space<vmem>>) dst(%dma_wait3A_189 : memref<128x128xf32, #tpu.memory_space<hbm>>)
        tpu.yield
      }) : () -> ()
      %mul3A_173 = arith.constant 1000 : i32
      %mul3A_174 = arith.muli %arg1, %mul3A_173 : i32
      %add3A_175 = arith.constant 896 : i32
      %add3A_176 = arith.addi %mul3A_174, %add3A_175 : i32
      %multiple_of3A_177 = tpu.assume_multiple %add3A_176, 8 : i32
      "tpu.region"() ({
        %run_scoped3A = tpu.sem_alloc : memref<!tpu.dma_semaphore, #tpu.memory_space<semaphore_mem>>
        %dma_start3A_178 = arith.constant 0 : i32
        %dma_start3A_179 = arith.constant 0 : i32
        %dma_start3A_180 = tpu.memref_slice %arg18[%dma_start3A_178, %dma_start3A_179] : memref<128x128xf32, #tpu.memory_space<vmem>> -> memref<104x128xf32, #tpu.memory_space<vmem>>
        %dma_start3A_181 = arith.constant 0 : i32
        %dma_start3A_182 = tpu.memref_slice %arg9[%multiple_of3A_177, %dma_start3A_181] : memref<10128x128xf32, #tpu.memory_space<vmem_shared>> -> memref<104x128xf32, #tpu.memory_space<vmem_shared>>
        %dma_start3A_183 = arith.constant 0 : i32
        %dma_start3A_184 = arith.constant 0 : i32
        %dma_start3A_185 = tpu.memref_slice %arg18[%dma_start3A_183, %dma_start3A_184] : memref<128x128xf32, #tpu.memory_space<vmem>> -> memref<104x128xf32, #tpu.memory_space<vmem>>
        %dma_start3A_186 = arith.constant 0 : i32
        %dma_start3A_187 = tpu.memref_slice %arg9[%multiple_of3A_177, %dma_start3A_186] : memref<10128x128xf32, #tpu.memory_space<vmem_shared>> -> memref<104x128xf32, #tpu.memory_space<vmem_shared>>
        tpu.enqueue_dma source(%dma_start3A_187 : memref<104x128xf32, #tpu.memory_space<vmem_shared>>) target(%dma_start3A_185 : memref<104x128xf32, #tpu.memory_space<vmem>>) target_semaphore(%run_scoped3A : memref<!tpu.dma_semaphore, #tpu.memory_space<semaphore_mem>>)
        %dma_wait3A_188 = arith.constant 0 : i32
        %dma_wait3A_189 = arith.constant 0 : i32
        %dma_wait3A_190 = tpu.memref_slice %arg18[%dma_wait3A_188, %dma_wait3A_189] : memref<128x128xf32, #tpu.memory_space<vmem>> -> memref<104x128xf32, #tpu.memory_space<vmem>>
        %dma_wait3A_191 = arith.constant 0 : i32
        %dma_wait3A_192 = tpu.memref_slice %arg9[%multiple_of3A_177, %dma_wait3A_191] : memref<10128x128xf32, #tpu.memory_space<vmem_shared>> -> memref<104x128xf32, #tpu.memory_space<vmem_shared>>
        %dma_wait3A_193 = arith.constant 0 : i32
        %dma_wait3A_194 = arith.constant 0 : i32
        %dma_wait3A_195 = tpu.memref_slice %arg18[%dma_wait3A_193, %dma_wait3A_194] : memref<128x128xf32, #tpu.memory_space<vmem>> -> memref<104x128xf32, #tpu.memory_space<vmem>>
        %dma_wait3A_196 = arith.constant 0 : i32
        %dma_wait3A_197 = tpu.memref_slice %arg9[%multiple_of3A_177, %dma_wait3A_196] : memref<10128x128xf32, #tpu.memory_space<vmem_shared>> -> memref<104x128xf32, #tpu.memory_space<vmem_shared>>
        tpu.wait_dma2 semaphore(%run_scoped3A : memref<!tpu.dma_semaphore, #tpu.memory_space<semaphore_mem>>) src(%dma_wait3A_197 : memref<104x128xf32, #tpu.memory_space<vmem_shared>>) dst(%dma_wait3A_195 : memref<104x128xf32, #tpu.memory_space<vmem>>)
        tpu.yield
      }) : () -> ()
      "tpu.region"() ({
        %run_scoped3A = tpu.sem_alloc : memref<!tpu.dma_semaphore, #tpu.memory_space<semaphore_mem>>
        %dma_start3A_178 = arith.constant 0 : i32
        %dma_start3A_179 = arith.constant 0 : i32
        %dma_start3A_180 = tpu.memref_slice %arg18[%dma_start3A_178, %dma_start3A_179] : memref<128x128xf32, #tpu.memory_space<vmem>> -> memref<104x128xf32, #tpu.memory_space<vmem>>
        %dma_start3A_181 = arith.constant 0 : i32
        %dma_start3A_182 = tpu.memref_slice %arg7[%arg0, %multiple_of3A_177, %dma_start3A_181] : memref<2x10000x128xf32, #tpu.memory_space<hbm>> -> memref<1x104x128xf32, #tpu.memory_space<hbm>>
        %dma_start3A_183 = tpu.memref_squeeze %dma_start3A_182 : memref<1x104x128xf32, #tpu.memory_space<hbm>> -> memref<104x128xf32, #tpu.memory_space<hbm>>
        %dma_start3A_184 = arith.constant 0 : i32
        %dma_start3A_185 = tpu.memref_slice %arg7[%arg0, %multiple_of3A_177, %dma_start3A_184] : memref<2x10000x128xf32, #tpu.memory_space<hbm>> -> memref<1x104x128xf32, #tpu.memory_space<hbm>>
        %dma_start3A_186 = tpu.memref_squeeze %dma_start3A_185 : memref<1x104x128xf32, #tpu.memory_space<hbm>> -> memref<104x128xf32, #tpu.memory_space<hbm>>
        %dma_start3A_187 = arith.constant 0 : i32
        %dma_start3A_188 = arith.constant 0 : i32
        %dma_start3A_189 = tpu.memref_slice %arg18[%dma_start3A_187, %dma_start3A_188] : memref<128x128xf32, #tpu.memory_space<vmem>> -> memref<104x128xf32, #tpu.memory_space<vmem>>
        tpu.enqueue_dma source(%dma_start3A_189 : memref<104x128xf32, #tpu.memory_space<vmem>>) target(%dma_start3A_186 : memref<104x128xf32, #tpu.memory_space<hbm>>) target_semaphore(%run_scoped3A : memref<!tpu.dma_semaphore, #tpu.memory_space<semaphore_mem>>)
        %dma_wait3A_190 = arith.constant 0 : i32
        %dma_wait3A_191 = arith.constant 0 : i32
        %dma_wait3A_192 = tpu.memref_slice %arg18[%dma_wait3A_190, %dma_wait3A_191] : memref<128x128xf32, #tpu.memory_space<vmem>> -> memref<104x128xf32, #tpu.memory_space<vmem>>
        %dma_wait3A_193 = arith.constant 0 : i32
        %dma_wait3A_194 = tpu.memref_slice %arg7[%arg0, %multiple_of3A_177, %dma_wait3A_193] : memref<2x10000x128xf32, #tpu.memory_space<hbm>> -> memref<1x104x128xf32, #tpu.memory_space<hbm>>
        %dma_wait3A_195 = tpu.memref_squeeze %dma_wait3A_194 : memref<1x104x128xf32, #tpu.memory_space<hbm>> -> memref<104x128xf32, #tpu.memory_space<hbm>>
        %dma_wait3A_196 = arith.constant 0 : i32
        %dma_wait3A_197 = tpu.memref_slice %arg7[%arg0, %multiple_of3A_177, %dma_wait3A_196] : memref<2x10000x128xf32, #tpu.memory_space<hbm>> -> memref<1x104x128xf32, #tpu.memory_space<hbm>>
        %dma_wait3A_198 = tpu.memref_squeeze %dma_wait3A_197 : memref<1x104x128xf32, #tpu.memory_space<hbm>> -> memref<104x128xf32, #tpu.memory_space<hbm>>
        %dma_wait3A_199 = arith.constant 0 : i32
        %dma_wait3A_200 = arith.constant 0 : i32
        %dma_wait3A_201 = tpu.memref_slice %arg18[%dma_wait3A_199, %dma_wait3A_200] : memref<128x128xf32, #tpu.memory_space<vmem>> -> memref<104x128xf32, #tpu.memory_space<vmem>>
        tpu.wait_dma2 semaphore(%run_scoped3A : memref<!tpu.dma_semaphore, #tpu.memory_space<semaphore_mem>>) src(%dma_wait3A_201 : memref<104x128xf32, #tpu.memory_space<vmem>>) dst(%dma_wait3A_198 : memref<104x128xf32, #tpu.memory_space<hbm>>)
        tpu.yield
      }) : () -> ()
    } else {
    }
    return
  }
}

</mosaic_0001>

<sc_bundles>
// kernel: _sc_scatter.3.cloned.1.call-start
scs
__scs_entry_jumppad:
0x0: {  	(pc) =	sbr.rel $0x88, $3  }
0x1: {  	(tag) =	ssettag $0x0;
	lr =	simm.s32 $0x1  }
0x2: {  	[smem:$0x3F9E] =	sst lr;
	_ =	strace $0xD0000000  }
0x3: {  	_ = 	snop  }
0x4: {  	_ = 	snop  }
0x5: {  	_ = 	snop  }
0x6: {  	_ = 	snop  }
0x7: {  	_ = 	snop  }
__scs_overlays_trampoline_lowered:
0x8: {  	[smem:$0x3FAD] =	sst s0  }
0x9: {  	[smem:$0x3FAE] =	sst s1  }
0xa: {  	[smem:$0x3FAF] =	sst s2  }
0xb: {  	[smem:$0x3FB0] =	sst s3  }
0xc: {  	[smem:$0x3FB1] =	sst s4  }
0xd: {  	[smem:$0x3FB2] =	sst s5  }
0xe: {  	[smem:$0x3FB3] =	sst s6  }
0xf: {  	[smem:$0x3FB4] =	sst s7  }
0x10: {  	[smem:$0x3FB5] =	sst s8  }
0x11: {  	[smem:$0x3FB6] =	sst s9;
	s0 =	simm.s32 @!p0 $0x0  }
0x12: {  	s1 =	sld [smem:$0x3F9C];
	s0 =	simm.s32 @p0 $0x1  }
0x13: {  	[smem:$0x3FB7] =	sst s0;
	s0 =	simm.s32 @!p1 $0x0  }
0x14: {  	s2 =	sld [smem:$0x3F9B];
	s0 =	simm.s32 @p1 $0x1  }
0x15: {  	[smem:$0x3FB8] =	sst s0;
	s0 =	simm.s32 @!p2 $0x0  }
0x16: {  	s3 =	sld [smem:$0x3FDB];
	s0 =	simm.s32 @p2 $0x1  }
0x17: {  	s4 =	simm.s32 $0x1BF5;
	[smem:$0x3FBA] =	sst s0  }
0x18: {  	s0 =	sld [smem:$0x3F9D];
	_ =	swait.ge [sflag:s4], $0x0  }
0x19: {  	s7 =	sld [smem:$0x3F9E]  }
0x1a: {  	s8 =	sadd.s32 $0xFFFFE003, lr  }
0x1b: {  	s9 =	sadd.s32 $0xFFFFFEF7, lr;
	s5 =	simm.s32 $0xFFFFFFFF;
	p2 =	slt.u32 s8, $0xFFFFF086  }
0x1c: {  	p1 =	slt.u32 s9, $0xF7A;
	s5 =	simm.s32 @!p2 $0x0  }
0x1d: {  	s5 =	simm.s32 @p1 $0x1;
	p0 =	seq.s32 s7, s2  }
0x1e: {  	s7 =	smul.u32 @!p0 $0xF7A, s2;
	p2 =	seq.s32 @!p0 s5, $0x0  }
0x1f: {  	s9 =	smul.u32 $0xF7A, s1;
	s8 =	simm.s32 @!p0 $0x1BF5;
	p2 =	por !p2, p0  }
0x20: {  	[sflag:s8] =	ssyncset.s32 @!p0 $0xFFFFF086;
	s6 =	sadd.s32 @!p0 s3, s7;
	s7 =	simm.s32 @!p0 $0x108  }
0x21: {  	s3 =	sadd.s32 s3, s9;
	s6 =	sadd.s32 @!p0 $0x88, s6;
	s7 =	simm.s32 @p2 $0x1082  }
0x22: {  	[simem:s7], [sflag:s8] =	dma.local @!p0 [hbm:s6], $0xF7A  }
0x23: {  	s9 =	sor.u32 $0xD0000000, s2;
	s6 =	simm.s32 $0x108;
	_ =	swait.ge @!p0 [sflag:s8], $0x0  }
0x24: {  	s3 =	sadd.s32 $0x88, s3;
	s6 =	simm.s32 @!p1 $0x1082;
	[sflag:s4] =	ssyncset.s32 $0xFFFFF086  }
0x25: {  	[simem:s6], [sflag:s4] =	dma.local [hbm:s3], $0xF7A  }
0x26: {  	[smem:$0x3F9E] =	sst s1;
	(tag) =	ssettag s2;
	_ =	strace s9  }
0x27: {  	s1 =	sld [smem:$0x3FAE]  }
0x28: {  	s2 =	sld [smem:$0x3FAF]  }
0x29: {  	s4 =	sld [smem:$0x3FB1]  }
0x2a: {  	p0 =	seq.s32 s5, $0x0;
	s5 =	sld [smem:$0x3FB2]  }
0x2b: {  	s6 =	sld [smem:$0x3FB3]  }
0x2c: {  	s7 =	sld [smem:$0x3FB4]  }
0x2d: {  	s3 =	simm.s32 $0x108;
	s8 =	sld [smem:$0x3FB5]  }
0x2e: {  	s3 =	simm.s32 @!p0 $0x1082;
	s9 =	sld [smem:$0x3FB6]  }
0x2f: {  	lr =	sadd.s32 s0, s3;
	s0 =	sld [smem:$0x3FAD]  }
0x30: {  	s3 =	sld [smem:$0x3FB0]  }
0x31: {  	[smem:$0x3FB9] =	sst s10  }
0x32: {  	s10 =	sld [smem:$0x3FB7];
	_ =	sdelay $0x3  }
0x33: {  	p0 =	seq.s32 s10, $0x1;
	s10 =	sld [smem:$0x3FB9];
	_ =	sdelay $0x3  }
0x34: {  	[smem:$0x3FB9] =	sst s10  }
0x35: {  	s10 =	sld [smem:$0x3FB8];
	_ =	sdelay $0x3  }
0x36: {  	p1 =	seq.s32 s10, $0x1;
	s10 =	sld [smem:$0x3FB9];
	_ =	sdelay $0x3  }
0x37: {  	[smem:$0x3FB9] =	sst s10  }
0x38: {  	s10 =	sld [smem:$0x3FBA]  }
0x39: {  	_ = 	snop;
	(pc) =	sbr.ind lr, $3  }
0x3a: {  	_ = 	snop  }
0x3b: {  	_ = 	snop  }
0x3c: {  	p2 =	seq.s32 s10, $0x1;
	s10 =	sld [smem:$0x3FB9]  }
0x3d: {  	_ =	shalt  }
0x3e: {  	_ =	shalt  }
0x3f: {  	_ =	shalt  }
0x40: {  	_ =	shalt  }
0x41: {  	_ =	shalt  }
0x42: {  	_ =	shalt  }
0x43: {  	_ =	shalt  }
0x44: {  	_ =	shalt  }
0x45: {  	_ =	shalt  }
0x46: {  	_ =	shalt  }
0x47: {  	_ =	shalt  }
0x48: {  	_ =	shalt  }
0x49: {  	_ =	shalt  }
0x4a: {  	_ =	shalt  }
0x4b: {  	_ =	shalt  }
0x4c: {  	_ =	shalt  }
0x4d: {  	_ =	shalt  }
0x4e: {  	_ =	shalt  }
0x4f: {  	_ =	shalt  }
0x50: {  	_ =	shalt  }
0x51: {  	_ =	shalt  }
0x52: {  	_ =	shalt  }
0x53: {  	_ =	shalt  }
0x54: {  	_ =	shalt  }
0x55: {  	_ =	shalt  }
0x56: {  	_ =	shalt  }
0x57: {  	_ =	shalt  }
0x58: {  	_ =	shalt  }
0x59: {  	_ =	shalt  }
0x5a: {  	_ =	shalt  }
0x5b: {  	_ =	shalt  }
0x5c: {  	_ =	shalt  }
0x5d: {  	_ =	shalt  }
0x5e: {  	_ =	shalt  }
0x5f: {  	_ =	shalt  }
0x60: {  	_ =	shalt  }
0x61: {  	_ =	shalt  }
0x62: {  	_ =	shalt  }
0x63: {  	_ =	shalt  }
0x64: {  	_ =	shalt  }
0x65: {  	_ =	shalt  }
0x66: {  	_ =	shalt  }
0x67: {  	_ =	shalt  }
0x68: {  	_ =	shalt  }
0x69: {  	_ =	shalt  }
0x6a: {  	_ =	shalt  }
0x6b: {  	_ =	shalt  }
0x6c: {  	_ =	shalt  }
0x6d: {  	_ =	shalt  }
0x6e: {  	_ =	shalt  }
0x6f: {  	_ =	shalt  }
0x70: {  	_ =	shalt  }
0x71: {  	_ =	shalt  }
0x72: {  	_ =	shalt  }
0x73: {  	_ =	shalt  }
0x74: {  	_ =	shalt  }
0x75: {  	_ =	shalt  }
0x76: {  	_ =	shalt  }
0x77: {  	_ =	shalt  }
0x78: {  	_ =	shalt  }
0x79: {  	_ =	shalt  }
0x7a: {  	_ =	shalt  }
0x7b: {  	_ =	shalt  }
0x7c: {  	_ =	shalt  }
0x7d: {  	_ =	shalt  }
0x7e: {  	_ =	shalt  }
0x7f: {  	_ =	shalt  }
0x80: {  	_ =	shalt  }
0x81: {  	_ =	shalt  }
0x82: {  	_ =	shalt  }
0x83: {  	_ =	shalt  }
0x84: {  	_ =	shalt  }
0x85: {  	_ =	shalt  }
0x86: {  	_ =	shalt  }
0x87: {  	_ =	shalt  }
.Lfunc_end0:
.L_simem_size_0:
called_computation_lowered:
.L_overlay_start_0:
0x88: {  	s2 =	sld [smem:$0x3FD9]  }
0x89: {  	s3 =	sld [smem:$0x3FFE];
	_ =	sdelay $0x1  }
0x8a: {  	s1 =	srdreg.scid  }
0x8b: {  	s0 =	sand.u32 $0x1, s1  }
0x8c: {  	s14 =	sshll.u32 s0, $0xA;
	s2 =	sadd.s32 s3, s2  }
0x8d: {  	s2 =	sadd.s32 s2, s14  }
0x8e: {  	[smem:$0x3FC5] =	sst s2  }
0x8f: {  	_ = 	snop  }
0x90: {  	s2 =	sld [smem:$0x3FD0]  }
0x91: {  	s15 =	sld [smem:$0x3FC9]  }
0x92: {  	s4 =	sld [smem:$0x3FC8]  }
0x93: {  	s6 =	simm.s32 $0xA;
	s7 =	simm.s32 $0x10;
	s5 =	sld [smem:$0x3FC7]  }
0x94: {  	[smem:s7], [sflag:s6] =	dma.local [hbm:s2], $0x1  }
0x95: {  	_ =	swait.eq [sflag:s6], $0x1  }
0x96: {  	[sflag:s6] =	ssyncset.done $0x0  }
0x97: {  	s16 =	sld [smem:$0x10];
	[sflag:s6] =	ssyncadd.s32 $0xFFFFFFFF  }
0x98: {  	s17 =	sld [smem:$0x11];
	(tm) =	ssettm $0x1  }
0x99: {  	s18 =	sld [smem:$0x3FFB];
	_ =	sdelay $0x3  }
0x9a: {  	_ =	strace s18  }
0x9b: {  	s7 =	sld [smem:$0x3FFC];
	_ =	sdelay $0x3  }
0x9c: {  	_ =	strace s7  }
0x9d: {  	s7 =	sld [smem:$0x3FFD];
	_ =	sdelay $0x3  }
0x9e: {  	_ =	strace s7  }
0x9f: {  	_ =	strace $0x8FFFFFFF  }
0xa0: {  	s19 =	sld [smem:$0x3FDB];
	_ =	sdelay $0x1  }
0xa1: {  	s8 =	simm.s32 $_scs_section_size  }
0xa2: {  	s9 =	simm.s32 $_size__tile_overlayer_lowered;
	s10 =	simm.s32 $_tile_overlayer_lowered  }
0xa3: {  	s22 =	simm.s32 $0x1BFF;
	s21 =	sshll.u32 s10, $0x1;
	s7 =	sadd.s32 s8, s19  }
0xa4: {  	s11 =	simm.s32 $0x0;
	s20 =	sshll.u32 s9, $0x1;
	s9 =	sadd.s32 s21, s7  }
0xa5: {  	[timem:s11], [sflag:s22] =	dma.local [hbm:s9], s20  }
0xa6: {  	_ =	swait.ge [sflag:s22], s20  }
0xa7: {  	s8 =	ssub.s32 $0x0, s20;
	[sflag:s22] =	ssyncset.done $0x0  }
0xa8: {  	[sflag:s22] =	ssyncadd.s32 s8;
	_ =	sdelay $0x1  }
0xa9: {  	s23 =	simm.s32 $0x1B8B  }
0xaa: {  	_ =	swait.ge [sflag:s23], $0x1  }
0xab: {  	[sflag:s23] =	ssyncset.done $0x0  }
0xac: {  	s25 =	simm.s32 $0x1B8E;
	s24 =	sld [smem:$0x3FFE];
	[sflag:s23] =	ssyncadd.s32 $0xFFFFFFFF  }
0xad: {  	s26 =	simm.s32 $execute0_lowered;
	[smem:$0x3FD2] =	sst s25  }
0xae: {  	s9 =	sshll.u32 s26, $0x1;
	_ =	strace $0x80000046;
	[dreg:$0x1] =	wrdreg $0xFFFFFFFF  }
0xaf: {  	s28 =	simm.s32 $_size_execute0_lowered;
	s7 =	sadd.s32 s7, s9;
	[dreg:$0x0] =	wrdreg $0x0  }
0xb0: {  	s9 =	sshll.u32 s28, $0x1;
	[dreg:$0x2] =	wrdreg s7  }
0xb1: {  	[dreg:$0x3] =	wrdreg s9  }
0xb2: {  	[dreg:$0x4] =	wrdreg $0xC0  }
0xb3: {  	_ =	task [dreg:s11], $0x5FFFF  }
0xb4: {  	[dreg:$0x1] =	wrdreg $0xFFFFFFFF  }
0xb5: {  	[dreg:$0x0] =	wrdreg $0x60  }
0xb6: {  	[dreg:$0x2] =	wrdreg s15  }
0xb7: {  	[dreg:$0x3] =	wrdreg s4  }
0xb8: {  	[dreg:$0x4] =	wrdreg s5  }
0xb9: {  	[dreg:$0x5] =	wrdreg s24  }
0xba: {  	[dreg:$0x6] =	wrdreg s16  }
0xbb: {  	[dreg:$0x7] =	wrdreg s17  }
0xbc: {  	[dreg:$0x8] =	wrdreg $0x0  }
0xbd: {  	[dreg:$0x9] =	wrdreg $0x9  }
0xbe: {  	_ =	task.clear_ibuf [dreg:s11], $0xAFFFF;
	_ =	strace $0x90000046  }
0xbf: {  	s29 =	simm.s32 $0x9;
	_ =	strace $0x80000048  }
0xc0: {  	_ =	swait.ge [sflag:s29], $0x1  }
0xc1: {  	[sflag:s29] =	ssyncadd.s32 $0xFFFFFFFF  }
0xc2: {  	_ =	strace $0x90000048  }
0xc3: {  	_ =	sfence  }
0xc4: {  	s30 =	sld [smem:$0x0];
	_ =	sdelay $0x2  }
0xc5: {  	s31 =	sshll.u32 s1, $0xD;
	s1 =	sshrl.u32 s1, $0x2  }
0xc6: {  	s3 =	sand.u32 $0x4000, s31;
	s1 =	sadd.s32 s1, s30  }
0xc7: {  	s0 =	sor.u32 s3, s0;
	s1 =	sshll.u32 s1, $0x11  }
0xc8: {  	s0 =	sor.u32 s1, s0  }
0xc9: {  	s0 =	sadd.s32 $0x8F2B, s0  }
0xca: {  	[sflag:s0] =	ssyncadd.remote.s32 $0x1  }
0xcb: {  	_ =	sfence.sel $0xFFFF  }
0xcc: {  	[dreg:$0x0] =	wrdreg $0xFFFFFFFF;
	(pc) =	sbr.abs _section_cstart, $3  }
0xcd: {  	[dreg:$0x1] =	wrdreg $0xFFFFFFFF  }
0xce: {  	_ =	task.clear_ibuf [dreg:s11], $0x2FFFF;
	_ =	strace $0x9FFFFFFF  }
0xcf: {  	(tm) =	ssettm $0x7FFFFFFF  }
tec
execute0_lowered:
.L_overlay_start_1:
0x0: {  	(tag) =	ssettag $0x1  }
0x1: {  	s0 =	rddreg [dreg:$0x0]  }
0x2: {  	s1 =	rddreg [dreg:$0x1]  }
0x3: {  	s2 =	rddreg [dreg:$0x2]  }
0x4: {  	s7 =	rddreg [dreg:$0x3]  }
0x5: {  	s10 =	rddreg [dreg:$0x4]  }
0x6: {  	s3 =	srdreg.scid;
	s8 =	rddreg [dreg:$0x5]  }
0x7: {  	s4 =	rddreg [dreg:$0x6];
	s6 =	stileid.u32;
	s5 =	simm.s32 $0x0  }
0x8: {  	s28 =	simm.s32 $0x13F80;
	s29 =	simm.s32 $0x13E00;
	s14 =	smul.u32 $0x1F400, s6  }
0x9: {  	s30 =	simm.s32 $0x14000;
	s9 =	sand.u32 $0x1, s3;
	s16 =	smul.u32 $0x2780, s6  }
0xa: {  	p0 =	sne.s32 s6, $0x0;
	p1 =	sgt.u32 s6, $0x9;
	s3 =	sshll.u32 s9, $0x4  }
0xb: {  	s21 =	ssub.s32 $0x2, s9;
	s11 =	sor.u32 s6, s3;
	s6 =	smul.u32 $0x7D000, s6  }
0xc: {  	s31 =	simm.s32 $0x3;
	s13 =	sshrl.u32 s21, $0x1;
	s12 =	smul.u32 $0x4F2, s11  }
0xd: {  	[smem:$0x7FF] =	sst s5;
	s3 =	ssub.s32 s21, s13;
	s13 =	smul.u32 $0x138800, s9  }
0xe: {  	_ =	strace $0x80000047;
	s17 =	sadd.s32 $0xC000, s14;
	s9 =	smul.u32 $0x27800, s9  }
0xf: {  	s15 =	smul.u32 $0x2780, s11;
	s6 =	sshrl.u32 s6, $0x2;
	s8 =	sadd.s32 s8, s12  }
0x10: {  	s22 =	sadd.s32 s14, s13;
	s9 =	sadd.s32 s16, s9;
	s26 =	sadd.s32 s13, s17  }
0x11: {  	s6 =	sadd.s32 s6, s4;
	[dreg:$0xe] =	wrdreg s8;
	s8 =	sadd.s32 $0x4000, s14  }
0x12: {  	s11 =	sshrl.u32 s22, $0x3;
	s18 =	sadd.s32 $0x380, s9;
	s16 =	sshrl.u32 s26, $0x3  }
0x13: {  	s20 =	sadd.s32 $0x300, s9;
	s26 =	sadd.s32 $0x280, s9;
	[smem:$0x7F6] =	sst s6  }
0x14: {  	s6 =	simm.s32 $0x4;
	s23 =	sadd.s32 s13, s8;
	s11 =	sadd.s32 s10, s11  }
0x15: {  	s18 =	sshrl.u32 s18, $0x3;
	s12 =	sshrl.u32 s23, $0x3;
	[dreg:$0xf] =	wrdreg s11  }
0x16: {  	s11 =	sadd.s32 $0x8000, s14;
	s19 =	sadd.s32 s18, s2;
	s21 =	sadd.s32 s18, s1  }
0x17: {  	s18 =	sadd.s32 $0x10000, s14;
	s24 =	sadd.s32 s10, s12;
	[dreg:$0x8] =	wrdreg s19  }
0x18: {  	s25 =	sadd.s32 s13, s11;
	[dreg:$0x9] =	wrdreg s21;
	s19 =	sadd.s32 s13, s18  }
0x19: {  	s21 =	sadd.s32 $0x18000, s14;
	[dreg:$0x10] =	wrdreg s24;
	s12 =	sshrl.u32 s25, $0x3  }
0x1a: {  	s19 =	sshrl.u32 s19, $0x3;
	s24 =	sadd.s32 s13, s21;
	s12 =	sadd.s32 s10, s12  }
0x1b: {  	s19 =	sadd.s32 s10, s19;
	s25 =	sshrl.u32 s24, $0x3;
	[dreg:$0x11] =	wrdreg s12  }
0x1c: {  	s12 =	sadd.s32 s10, s16;
	s16 =	sshrl.u32 s20, $0x3;
	[dreg:$0x13] =	wrdreg s19  }
0x1d: {  	[dreg:$0x12] =	wrdreg s12;
	s22 =	sadd.s32 s16, s2;
	s12 =	sadd.s32 $0x14000, s14  }
0x1e: {  	s14 =	sadd.s32 $0x1C000, s14;
	s16 =	sadd.s32 s16, s1;
	[dreg:$0xa] =	wrdreg s22  }
0x1f: {  	s20 =	sadd.s32 s13, s12;
	[dreg:$0xb] =	wrdreg s16;
	s22 =	sadd.s32 $0xC00, s7  }
0x20: {  	s16 =	sshrl.u32 s15, $0x3;
	s7 =	sadd.s32 $0x600, s7;
	[dreg:$0x17] =	wrdreg s22  }
0x21: {  	s13 =	sadd.s32 s13, s14;
	[dreg:$0x18] =	wrdreg s7;
	s15 =	sadd.s32 s2, s16  }
0x22: {  	s23 =	sshrl.u32 s20, $0x3;
	s22 =	sadd.s32 s17, s4;
	[dreg:$0x1e] =	wrdreg s15  }
0x23: {  	s13 =	sshrl.u32 s13, $0x3;
	s19 =	sadd.s32 s10, s23;
	[smem:$0x7F9] =	sst s22  }
0x24: {  	s17 =	simm.s32 $0x5;
	[dreg:$0x14] =	wrdreg s19;
	s19 =	sadd.s32 s10, s25  }
0x25: {  	s23 =	sadd.s32 $0x10, s16;
	s10 =	sadd.s32 s10, s13;
	[dreg:$0x15] =	wrdreg s19  }
0x26: {  	s15 =	simm.s32 $0x18080;
	s24 =	sadd.s32 s1, s23;
	[dreg:$0x16] =	wrdreg s10  }
0x27: {  	s25 =	sadd.s32 $0x20, s16;
	s19 =	sshrl.u32 s26, $0x3;
	[dreg:$0x19] =	wrdreg s24  }
0x28: {  	s26 =	sadd.s32 s1, s25;
	s7 =	sadd.s32 s2, s25;
	s24 =	sadd.s32 s12, s4  }
0x29: {  	s25 =	sadd.s32 s21, s4;
	s21 =	sadd.s32 $0x200, s9;
	[dreg:$0x1b] =	wrdreg s26  }
0x2a: {  	s12 =	simm.s32 $0x13C80;
	s13 =	sadd.s32 s19, s2;
	[dreg:$0x1c] =	wrdreg s7  }
0x2b: {  	s20 =	sadd.s32 s19, s1;
	s19 =	sadd.s32 s8, s4;
	[smem:$0x7FB] =	sst s24  }
0x2c: {  	[smem:$0x7FC] =	sst s25;
	s26 =	sadd.s32 s14, s4;
	s8 =	smax.u32 s3, $0x1  }
0x2d: {  	s14 =	simm.s32 $0x13D00;
	s25 =	simm.s32 $0x13F00;
	[dreg:$0xc] =	wrdreg s13  }
0x2e: {  	s3 =	simm.s32 $0x80;
	[dreg:$0xd] =	wrdreg s20;
	s13 =	sadd.s32 s2, s23  }
0x2f: {  	[smem:$0x7F7] =	sst s19;
	s20 =	sadd.s32 s11, s4;
	s23 =	sadd.s32 s18, s4  }
0x30: {  	[smem:$0x7FD] =	sst s26;
	s11 =	simm.s32 $0x7;
	s26 =	simm.s32 $0x13D80  }
0x31: {  	s18 =	simm.s32 $0x2;
	s19 =	simm.s32 $0x6;
	[dreg:$0x1a] =	wrdreg s13  }
.Ltmp0:
0x32: {  	s13 =	sadd.s32 s1, s16;
	[smem:$0x7F8] =	sst s20;
	(pc) =	sbr.rel .LBB2_1-.Ltmp0, $4  }
0x33: {  	s16 =	sadd.s32 $0x30, s16;
	[smem:$0x7FA] =	sst s23;
	s20 =	simm.s32 $0x0  }
0x34: {  	[dreg:$0x1d] =	wrdreg s13;
	s10 =	sadd.s32 s1, s16;
	s7 =	sadd.s32 s2, s16  }
0x35: {  	s13 =	simm.s32 $0x13E80;
	s16 =	simm.s32 $0x1;
	[dreg:$0x1f] =	wrdreg s10  }
0x36: {  	v0 =	vimm.f32 $1.000000000e+00;
	[smem:$0x7F5] =	sst s7;
	s10 =	simm.s32 $0x1C080;
	s7 =	simm.s32 $0x14080  }
.LBB2_5:
0x37: {  	s20 =	sadd.s32 $0x1, s20  }
0x38: {  	p2 =	sne.s32 s20, s8  }
.Ltmp1:
0x39: {  	_ = 	snop;
	(pc) =	sbr.rel @!p2 .LBB2_6-.Ltmp1, $1  }
0x3a: {  	_ =	sdelay $0x3  }
.LBB2_1:
0x3b: {  	s9 =	rddreg [dreg:$0x18]  }
0x3c: {  	[tilespmem:s10], [sflag:$0x7] =	stream.linear.gather [hbm4b:s9+s5], $0x2800, $0x38;
	[tilespmem:$0x1E880] =	vst v63  }
0x3d: {  	_ =	swait.ge [sflag:s11], $0x2800  }
0x3e: {  	s22 =	simm.s32 @!p0 $0x1C07;
	[sflag:s11] =	ssyncset.done $0x0  }
0x3f: {  	s9 =	sshrl.u32 @!p0 s4, $0x3;
	s23 =	rddreg [dreg:$0x17];
	[sflag:s11] =	ssyncadd.s32 $0xFFFFD800  }
0x40: {  	[spmem:s9], [sflag:s22] =	dma.local @!p0 [hbm:s23], $0x27900  }
0x41: {  	s9 =	simm.s32 @!p0 $0x7  }
0x42: {  	_ =	swait.ge @!p0 [sflag:s9], $0x27900  }
0x43: {  	[sflag:s9] =	ssyncset.done @!p0 $0x0  }
0x44: {  	[sflag:s9] =	ssyncadd.s32 @!p0 $0xFFFD8700  }
0x45: {  	[bflag:$0x0] =	sbarrier.arrive $0xFFFF  }
0x46: {  	s23 =	rddreg [dreg:$0x1d]  }
0x47: {  	s24 =	rddreg [dreg:$0x1e]  }
0x48: {  	[tilespmem:s12], [sflag:$0x3] =	stream.linear.gather [hbm4b:s23+s5], $0x80, $0x38;
	[tilespmem:$0x1E880] =	vst v63  }
0x49: {  	s22 =	rddreg [dreg:$0x19]  }
0x4a: {  	[tilespmem:s13], [sflag:$0x3] =	stream.linear.gather [hbm4b:s24+s5], $0x80, $0x38;
	[tilespmem:$0x1E880] =	vst v63  }
0x4b: {  	s23 =	rddreg [dreg:$0x1a]  }
0x4c: {  	[tilespmem:s14], [sflag:$0x4] =	stream.linear.gather [hbm4b:s22+s5], $0x80, $0x38;
	[tilespmem:$0x1E880] =	vst v63  }
0x4d: {  	s24 =	rddreg [dreg:$0x1b]  }
0x4e: {  	[tilespmem:s25], [sflag:$0x4] =	stream.linear.gather [hbm4b:s23+s5], $0x80, $0x38;
	[tilespmem:$0x1E880] =	vst v63  }
0x4f: {  	s22 =	rddreg [dreg:$0x1c]  }
0x50: {  	[tilespmem:s26], [sflag:$0x5] =	stream.linear.gather [hbm4b:s24+s5], $0x80, $0x38;
	[tilespmem:$0x1E880] =	vst v63  }
0x51: {  	s23 =	rddreg [dreg:$0x1f]  }
0x52: {  	[tilespmem:s28], [sflag:$0x5] =	stream.linear.gather [hbm4b:s22+s5], $0x80, $0x38;
	[tilespmem:$0x1E880] =	vst v63  }
0x53: {  	s24 =	sld [smem:$0x7F5]  }
0x54: {  	[tilespmem:s29], [sflag:$0x6] =	stream.linear.gather [hbm4b:s23+s5], $0x80, $0x38;
	[tilespmem:$0x1E880] =	vst v63  }
0x55: {  	_ = 	snop  }
0x56: {  	[tilespmem:s30], [sflag:$0x6] =	stream.linear.gather [hbm4b:s24+s5], $0x80, $0x38;
	[tilespmem:$0x1E880] =	vst v63  }
0x57: {  	_ =	swait.ge [sflag:s31], $0x80  }
0x58: {  	[sflag:s31] =	ssyncset.done $0x0  }
0x59: {  	[sflag:s31] =	ssyncadd.s32 $0xFFFFFF80  }
0x5a: {  	_ =	swait.ge [sflag:s31], $0x80  }
0x5b: {  	[sflag:s31] =	ssyncset.done $0x0  }
0x5c: {  	s9 =	smov.u32 s21;
	s22 =	simm.s32 $0x0;
	[sflag:s31] =	ssyncadd.s32 $0xFFFFFF80  }
0x5d: {  	[tilespmem:s7], [sflag:$0x1] =	stream.indirect.gather [hbm4b:s0+s3], $0x80, s13, s3, $0xb8;
	[tilespmem:$0x1E880] =	vst v63  }
.LBB2_2:
0x5e: {  	_ =	swait.ge [sflag:s6], $0x80  }
0x5f: {  	[sflag:s6] =	ssyncset.done $0x0  }
0x60: {  	[sflag:s6] =	ssyncadd.s32 $0xFFFFFF80  }
0x61: {  	_ =	swait.ge [sflag:s6], $0x80  }
0x62: {  	[sflag:s6] =	ssyncset.done $0x0  }
0x63: {  	[sflag:s6] =	ssyncadd.s32 $0xFFFFFF80  }
0x64: {  	[tilespmem:s15], [sflag:$0x2] =	stream.indirect.gather [hbm4b:s0+s3], $0x80, s25, s3, $0xb8;
	[tilespmem:$0x1E880] =	vst v63  }
0x65: {  	v1 =	vld [tilespmem:$0x13C80];
	_ =	sdelay $0x7  }
0x66: {  	[tilespmem:v1+s10+$0x0] =	vst.idx.add.f32.msk $0xffff, v0  }
0x67: {  	v1 =	vld [tilespmem:$0x13C90];
	_ =	sdelay $0x7  }
0x68: {  	[tilespmem:v1+s10+$0x0] =	vst.idx.add.f32.msk $0xffff, v0  }
0x69: {  	v1 =	vld [tilespmem:$0x13CA0];
	_ =	sdelay $0x7  }
0x6a: {  	[tilespmem:v1+s10+$0x0] =	vst.idx.add.f32.msk $0xffff, v0  }
0x6b: {  	v1 =	vld [tilespmem:$0x13CB0];
	_ =	sdelay $0x7  }
0x6c: {  	[tilespmem:v1+s10+$0x0] =	vst.idx.add.f32.msk $0xffff, v0  }
0x6d: {  	v1 =	vld [tilespmem:$0x13CC0];
	_ =	sdelay $0x7  }
0x6e: {  	[tilespmem:v1+s10+$0x0] =	vst.idx.add.f32.msk $0xffff, v0  }
0x6f: {  	v1 =	vld [tilespmem:$0x13CD0];
	_ =	sdelay $0x7  }
0x70: {  	[tilespmem:v1+s10+$0x0] =	vst.idx.add.f32.msk $0xffff, v0  }
0x71: {  	v1 =	vld [tilespmem:$0x13CE0];
	_ =	sdelay $0x7  }
0x72: {  	[tilespmem:v1+s10+$0x0] =	vst.idx.add.f32.msk $0xffff, v0  }
0x73: {  	v1 =	vld [tilespmem:$0x13CF0];
	_ =	sdelay $0x7  }
0x74: {  	[tilespmem:v1+s10+$0x0] =	vst.idx.add.f32.msk $0xffff, v0  }
0x75: {  	_ =	swait.ge [sflag:s16], $0x4000  }
0x76: {  	[sflag:s16] =	ssyncset.done $0x0  }
0x77: {  	[sflag:s16] =	ssyncadd.s32 $0xFFFFC000  }
0x78: {  	[spmem:s4] =	stream.indirect.scatter.add.f32 [tilespmem:s7], [sflag:$0x7], $0x80, s12, s3, $0xb8;
	[tilespmem:$0x1E880] =	vst v63  }
0x79: {  	_ =	swait.ge [sflag:s11], $0x4000  }
0x7a: {  	s23 =	sshrl.u32 s9, $0x3;
	[sflag:s11] =	ssyncset.done $0x0  }
0x7b: {  	s24 =	sadd.s32 s1, s23;
	[sflag:s11] =	ssyncadd.s32 $0xFFFFC000  }
0x7c: {  	[tilespmem:s12], [sflag:$0x3] =	stream.linear.gather [hbm4b:s24+s5], $0x80, $0x38;
	[tilespmem:$0x1E880] =	vst v63  }
0x7d: {  	s23 =	sadd.s32 s2, s23  }
0x7e: {  	[tilespmem:s13], [sflag:$0x3] =	stream.linear.gather [hbm4b:s23+s5], $0x80, $0x38;
	[tilespmem:$0x1E880] =	vst v63  }
0x7f: {  	_ =	swait.ge [sflag:s17], $0x80  }
0x80: {  	[sflag:s17] =	ssyncset.done $0x0  }
0x81: {  	[sflag:s17] =	ssyncadd.s32 $0xFFFFFF80  }
0x82: {  	_ =	swait.ge [sflag:s17], $0x80  }
0x83: {  	[sflag:s17] =	ssyncset.done $0x0  }
0x84: {  	[sflag:s17] =	ssyncadd.s32 $0xFFFFFF80  }
0x85: {  	[tilespmem:s7], [sflag:$0x1] =	stream.indirect.gather [hbm4b:s0+s3], $0x80, s28, s3, $0xb8;
	[tilespmem:$0x1E880] =	vst v63  }
0x86: {  	v1 =	vld [tilespmem:$0x13D00];
	_ =	sdelay $0x7  }
0x87: {  	[tilespmem:v1+s10+$0x0] =	vst.idx.add.f32.msk $0xffff, v0  }
0x88: {  	v1 =	vld [tilespmem:$0x13D10];
	_ =	sdelay $0x7  }
0x89: {  	[tilespmem:v1+s10+$0x0] =	vst.idx.add.f32.msk $0xffff, v0  }
0x8a: {  	v1 =	vld [tilespmem:$0x13D20];
	_ =	sdelay $0x7  }
0x8b: {  	[tilespmem:v1+s10+$0x0] =	vst.idx.add.f32.msk $0xffff, v0  }
0x8c: {  	v1 =	vld [tilespmem:$0x13D30];
	_ =	sdelay $0x7  }
0x8d: {  	[tilespmem:v1+s10+$0x0] =	vst.idx.add.f32.msk $0xffff, v0  }
0x8e: {  	v1 =	vld [tilespmem:$0x13D40];
	_ =	sdelay $0x7  }
0x8f: {  	[tilespmem:v1+s10+$0x0] =	vst.idx.add.f32.msk $0xffff, v0  }
0x90: {  	v1 =	vld [tilespmem:$0x13D50];
	_ =	sdelay $0x7  }
0x91: {  	[tilespmem:v1+s10+$0x0] =	vst.idx.add.f32.msk $0xffff, v0  }
0x92: {  	v1 =	vld [tilespmem:$0x13D60];
	_ =	sdelay $0x7  }
0x93: {  	[tilespmem:v1+s10+$0x0] =	vst.idx.add.f32.msk $0xffff, v0  }
0x94: {  	v1 =	vld [tilespmem:$0x13D70];
	_ =	sdelay $0x7  }
0x95: {  	[tilespmem:v1+s10+$0x0] =	vst.idx.add.f32.msk $0xffff, v0  }
0x96: {  	_ =	swait.ge [sflag:s18], $0x4000  }
0x97: {  	[sflag:s18] =	ssyncset.done $0x0  }
0x98: {  	[sflag:s18] =	ssyncadd.s32 $0xFFFFC000  }
0x99: {  	[spmem:s4] =	stream.indirect.scatter.add.f32 [tilespmem:s15], [sflag:$0x7], $0x80, s14, s3, $0xb8;
	[tilespmem:$0x1E880] =	vst v63  }
0x9a: {  	_ =	swait.ge [sflag:s11], $0x4000  }
0x9b: {  	s23 =	rddreg [dreg:$0xd];
	[sflag:s11] =	ssyncset.done $0x0  }
0x9c: {  	s24 =	rddreg [dreg:$0xc];
	[sflag:s11] =	ssyncadd.s32 $0xFFFFC000;
	s23 =	sadd.s32 s22, s23  }
0x9d: {  	[tilespmem:s14], [sflag:$0x4] =	stream.linear.gather [hbm4b:s23+s5], $0x80, $0x38;
	[tilespmem:$0x1E880] =	vst v63  }
0x9e: {  	s24 =	sadd.s32 s22, s24  }
0x9f: {  	[tilespmem:s25], [sflag:$0x4] =	stream.linear.gather [hbm4b:s24+s5], $0x80, $0x38;
	[tilespmem:$0x1E880] =	vst v63  }
0xa0: {  	_ =	swait.ge [sflag:s19], $0x80  }
0xa1: {  	[sflag:s19] =	ssyncset.done $0x0  }
0xa2: {  	[sflag:s19] =	ssyncadd.s32 $0xFFFFFF80  }
0xa3: {  	_ =	swait.ge [sflag:s19], $0x80  }
0xa4: {  	[sflag:s19] =	ssyncset.done $0x0  }
0xa5: {  	[sflag:s19] =	ssyncadd.s32 $0xFFFFFF80  }
0xa6: {  	[tilespmem:s15], [sflag:$0x2] =	stream.indirect.gather [hbm4b:s0+s3], $0x80, s30, s3, $0xb8;
	[tilespmem:$0x1E880] =	vst v63  }
0xa7: {  	v1 =	vld [tilespmem:$0x13D80];
	_ =	sdelay $0x7  }
0xa8: {  	[tilespmem:v1+s10+$0x0] =	vst.idx.add.f32.msk $0xffff, v0  }
0xa9: {  	v1 =	vld [tilespmem:$0x13D90];
	_ =	sdelay $0x7  }
0xaa: {  	[tilespmem:v1+s10+$0x0] =	vst.idx.add.f32.msk $0xffff, v0  }
0xab: {  	v1 =	vld [tilespmem:$0x13DA0];
	_ =	sdelay $0x7  }
0xac: {  	[tilespmem:v1+s10+$0x0] =	vst.idx.add.f32.msk $0xffff, v0  }
0xad: {  	v1 =	vld [tilespmem:$0x13DB0];
	_ =	sdelay $0x7  }
0xae: {  	[tilespmem:v1+s10+$0x0] =	vst.idx.add.f32.msk $0xffff, v0  }
0xaf: {  	v1 =	vld [tilespmem:$0x13DC0];
	_ =	sdelay $0x7  }
0xb0: {  	[tilespmem:v1+s10+$0x0] =	vst.idx.add.f32.msk $0xffff, v0  }
0xb1: {  	v1 =	vld [tilespmem:$0x13DD0];
	_ =	sdelay $0x7  }
0xb2: {  	[tilespmem:v1+s10+$0x0] =	vst.idx.add.f32.msk $0xffff, v0  }
0xb3: {  	v1 =	vld [tilespmem:$0x13DE0];
	_ =	sdelay $0x7  }
0xb4: {  	[tilespmem:v1+s10+$0x0] =	vst.idx.add.f32.msk $0xffff, v0  }
0xb5: {  	v1 =	vld [tilespmem:$0x13DF0];
	_ =	sdelay $0x7  }
0xb6: {  	[tilespmem:v1+s10+$0x0] =	vst.idx.add.f32.msk $0xffff, v0  }
0xb7: {  	_ =	swait.ge [sflag:s16], $0x4000  }
0xb8: {  	[sflag:s16] =	ssyncset.done $0x0  }
0xb9: {  	[sflag:s16] =	ssyncadd.s32 $0xFFFFC000  }
0xba: {  	[spmem:s4] =	stream.indirect.scatter.add.f32 [tilespmem:s7], [sflag:$0x7], $0x80, s26, s3, $0xb8;
	[tilespmem:$0x1E880] =	vst v63  }
0xbb: {  	_ =	swait.ge [sflag:s11], $0x4000  }
0xbc: {  	s23 =	rddreg [dreg:$0xb];
	[sflag:s11] =	ssyncset.done $0x0  }
0xbd: {  	s24 =	rddreg [dreg:$0xa];
	[sflag:s11] =	ssyncadd.s32 $0xFFFFC000;
	s23 =	sadd.s32 s22, s23  }
0xbe: {  	[tilespmem:s26], [sflag:$0x5] =	stream.linear.gather [hbm4b:s23+s5], $0x80, $0x38;
	[tilespmem:$0x1E880] =	vst v63  }
0xbf: {  	s24 =	sadd.s32 s22, s24  }
0xc0: {  	[tilespmem:s28], [sflag:$0x5] =	stream.linear.gather [hbm4b:s24+s5], $0x80, $0x38;
	[tilespmem:$0x1E880] =	vst v63  }
0xc1: {  	_ =	swait.ge [sflag:s31], $0x80  }
0xc2: {  	[sflag:s31] =	ssyncset.done $0x0  }
0xc3: {  	[sflag:s31] =	ssyncadd.s32 $0xFFFFFF80  }
0xc4: {  	_ =	swait.ge [sflag:s31], $0x80  }
0xc5: {  	[sflag:s31] =	ssyncset.done $0x0  }
0xc6: {  	[sflag:s31] =	ssyncadd.s32 $0xFFFFFF80  }
0xc7: {  	[tilespmem:s7], [sflag:$0x1] =	stream.indirect.gather [hbm4b:s0+s3], $0x80, s13, s3, $0xb8;
	[tilespmem:$0x1E880] =	vst v63  }
0xc8: {  	v1 =	vld [tilespmem:$0x13E00];
	_ =	sdelay $0x7  }
0xc9: {  	[tilespmem:v1+s10+$0x0] =	vst.idx.add.f32.msk $0xffff, v0  }
0xca: {  	v1 =	vld [tilespmem:$0x13E10];
	_ =	sdelay $0x7  }
0xcb: {  	[tilespmem:v1+s10+$0x0] =	vst.idx.add.f32.msk $0xffff, v0  }
0xcc: {  	v1 =	vld [tilespmem:$0x13E20];
	_ =	sdelay $0x7  }
0xcd: {  	[tilespmem:v1+s10+$0x0] =	vst.idx.add.f32.msk $0xffff, v0  }
0xce: {  	v1 =	vld [tilespmem:$0x13E30];
	_ =	sdelay $0x7  }
0xcf: {  	[tilespmem:v1+s10+$0x0] =	vst.idx.add.f32.msk $0xffff, v0  }
0xd0: {  	v1 =	vld [tilespmem:$0x13E40];
	_ =	sdelay $0x7  }
0xd1: {  	[tilespmem:v1+s10+$0x0] =	vst.idx.add.f32.msk $0xffff, v0  }
0xd2: {  	v1 =	vld [tilespmem:$0x13E50];
	_ =	sdelay $0x7  }
0xd3: {  	[tilespmem:v1+s10+$0x0] =	vst.idx.add.f32.msk $0xffff, v0  }
0xd4: {  	v1 =	vld [tilespmem:$0x13E60];
	_ =	sdelay $0x7  }
0xd5: {  	[tilespmem:v1+s10+$0x0] =	vst.idx.add.f32.msk $0xffff, v0  }
0xd6: {  	v1 =	vld [tilespmem:$0x13E70];
	_ =	sdelay $0x7  }
0xd7: {  	[tilespmem:v1+s10+$0x0] =	vst.idx.add.f32.msk $0xffff, v0  }
0xd8: {  	_ =	swait.ge [sflag:s18], $0x4000  }
0xd9: {  	[sflag:s18] =	ssyncset.done $0x0  }
0xda: {  	[sflag:s18] =	ssyncadd.s32 $0xFFFFC000  }
0xdb: {  	[spmem:s4] =	stream.indirect.scatter.add.f32 [tilespmem:s15], [sflag:$0x7], $0x80, s29, s3, $0xb8;
	[tilespmem:$0x1E880] =	vst v63  }
0xdc: {  	p2 =	sne.s32 s22, $0x480;
	_ =	swait.ge [sflag:s11], $0x4000  }
.Ltmp2:
0xdd: {  	s23 =	rddreg [dreg:$0x9];
	[sflag:s11] =	ssyncset.done $0x0;
	(pc) =	sbr.rel @p2 .LBB2_2-.Ltmp2, $4  }
0xde: {  	s24 =	rddreg [dreg:$0x8];
	[sflag:s11] =	ssyncadd.s32 $0xFFFFC000;
	s23 =	sadd.s32 s22, s23  }
0xdf: {  	[tilespmem:s29], [sflag:$0x6] =	stream.linear.gather [hbm4b:s23+s5], $0x80, $0x38;
	[tilespmem:$0x1E880] =	vst v63  }
0xe0: {  	s9 =	sadd.s32 $0x200, s9;
	s24 =	sadd.s32 s22, s24;
	s22 =	sadd.s32 $0x40, s22  }
0xe1: {  	[tilespmem:s30], [sflag:$0x6] =	stream.linear.gather [hbm4b:s24+s5], $0x80, $0x38;
	[tilespmem:$0x1E880] =	vst v63  }
0xe2: {  	_ =	swait.ge [sflag:s6], $0x80  }
0xe3: {  	[sflag:s6] =	ssyncset.done $0x0  }
0xe4: {  	[sflag:s6] =	ssyncadd.s32 $0xFFFFFF80  }
0xe5: {  	_ =	swait.ge [sflag:s6], $0x80  }
0xe6: {  	[sflag:s6] =	ssyncset.done $0x0  }
0xe7: {  	[sflag:s6] =	ssyncadd.s32 $0xFFFFFF80  }
0xe8: {  	[tilespmem:s15], [sflag:$0x2] =	stream.indirect.gather [hbm4b:s0+s3], $0x80, s25, s3, $0xb8;
	[tilespmem:$0x1E880] =	vst v63  }
0xe9: {  	v1 =	vld [tilespmem:$0x13C80];
	_ =	sdelay $0x7  }
0xea: {  	[tilespmem:v1+s10+$0x0] =	vst.idx.add.f32.msk $0xffff, v0  }
0xeb: {  	v1 =	vld [tilespmem:$0x13C90];
	_ =	sdelay $0x7  }
0xec: {  	[tilespmem:v1+s10+$0x0] =	vst.idx.add.f32.msk $0xffff, v0  }
0xed: {  	v1 =	vld [tilespmem:$0x13CA0];
	_ =	sdelay $0x7  }
0xee: {  	[tilespmem:v1+s10+$0x0] =	vst.idx.add.f32.msk $0xffff, v0  }
0xef: {  	v1 =	vld [tilespmem:$0x13CB0];
	_ =	sdelay $0x7  }
0xf0: {  	[tilespmem:v1+s10+$0x0] =	vst.idx.add.f32.msk $0xffff, v0  }
0xf1: {  	v1 =	vld [tilespmem:$0x13CC0];
	_ =	sdelay $0x7  }
0xf2: {  	[tilespmem:v1+s10+$0x0] =	vst.idx.add.f32.msk $0xffff, v0  }
0xf3: {  	v1 =	vld [tilespmem:$0x13CD0];
	_ =	sdelay $0x7  }
0xf4: {  	[tilespmem:v1+s10+$0x0] =	vst.idx.add.f32.msk $0xffff, v0  }
0xf5: {  	v1 =	vld [tilespmem:$0x13CE0];
	_ =	sdelay $0x7  }
0xf6: {  	[tilespmem:v1+s10+$0x0] =	vst.idx.add.f32.msk $0xffff, v0  }
0xf7: {  	v1 =	vld [tilespmem:$0x13CF0];
	_ =	sdelay $0x7  }
0xf8: {  	[tilespmem:v1+s10+$0x0] =	vst.idx.add.f32.msk $0xffff, v0  }
0xf9: {  	_ =	swait.ge [sflag:s16], $0x4000  }
0xfa: {  	[sflag:s16] =	ssyncset.done $0x0  }
0xfb: {  	[sflag:s16] =	ssyncadd.s32 $0xFFFFC000  }
0xfc: {  	[spmem:s4] =	stream.indirect.scatter.add.f32 [tilespmem:s7], [sflag:$0x7], $0x80, s12, s3, $0xb8;
	[tilespmem:$0x1E880] =	vst v63  }
0xfd: {  	_ =	swait.ge [sflag:s11], $0x4000  }
0xfe: {  	[sflag:s11] =	ssyncset.done $0x0  }
0xff: {  	[sflag:s11] =	ssyncadd.s32 $0xFFFFC000  }
0x100: {  	_ =	swait.ge [sflag:s17], $0x80  }
0x101: {  	[sflag:s17] =	ssyncset.done $0x0  }
0x102: {  	[sflag:s17] =	ssyncadd.s32 $0xFFFFFF80  }
0x103: {  	_ =	swait.ge [sflag:s17], $0x80  }
0x104: {  	[sflag:s17] =	ssyncset.done $0x0  }
0x105: {  	[sflag:s17] =	ssyncadd.s32 $0xFFFFFF80  }
0x106: {  	[tilespmem:s7], [sflag:$0x1] =	stream.indirect.gather [hbm4b:s0+s3], $0x80, s28, s3, $0xb8;
	[tilespmem:$0x1E880] =	vst v63  }
0x107: {  	v1 =	vld [tilespmem:$0x13D00];
	_ =	sdelay $0x7  }
0x108: {  	[tilespmem:v1+s10+$0x0] =	vst.idx.add.f32.msk $0xffff, v0  }
0x109: {  	v1 =	vld [tilespmem:$0x13D10];
	_ =	sdelay $0x7  }
0x10a: {  	[tilespmem:v1+s10+$0x0] =	vst.idx.add.f32.msk $0xffff, v0  }
0x10b: {  	v1 =	vld [tilespmem:$0x13D20];
	_ =	sdelay $0x7  }
0x10c: {  	[tilespmem:v1+s10+$0x0] =	vst.idx.add.f32.msk $0xffff, v0  }
0x10d: {  	v1 =	vld [tilespmem:$0x13D30];
	_ =	sdelay $0x7  }
0x10e: {  	[tilespmem:v1+s10+$0x0] =	vst.idx.add.f32.msk $0xffff, v0  }
0x10f: {  	v1 =	vld [tilespmem:$0x13D40];
	_ =	sdelay $0x7  }
0x110: {  	[tilespmem:v1+s10+$0x0] =	vst.idx.add.f32.msk $0xffff, v0  }
0x111: {  	v1 =	vld [tilespmem:$0x13D50];
	_ =	sdelay $0x7  }
0x112: {  	[tilespmem:v1+s10+$0x0] =	vst.idx.add.f32.msk $0xffff, v0  }
0x113: {  	v1 =	vld [tilespmem:$0x13D60];
	_ =	sdelay $0x7  }
0x114: {  	[tilespmem:v1+s10+$0x0] =	vst.idx.add.f32.msk $0xffff, v0  }
0x115: {  	v1 =	vld [tilespmem:$0x13D70];
	_ =	sdelay $0x7  }
0x116: {  	[tilespmem:v1+s10+$0x0] =	vst.idx.add.f32.msk $0xffff, v0  }
0x117: {  	_ =	swait.ge [sflag:s18], $0x4000  }
0x118: {  	[sflag:s18] =	ssyncset.done $0x0  }
0x119: {  	[sflag:s18] =	ssyncadd.s32 $0xFFFFC000  }
0x11a: {  	[spmem:s4] =	stream.indirect.scatter.add.f32 [tilespmem:s15], [sflag:$0x7], $0x80, s14, s3, $0xb8;
	[tilespmem:$0x1E880] =	vst v63  }
0x11b: {  	_ =	swait.ge [sflag:s11], $0x4000  }
0x11c: {  	[sflag:s11] =	ssyncset.done $0x0  }
0x11d: {  	[sflag:s11] =	ssyncadd.s32 $0xFFFFC000  }
0x11e: {  	v1 =	vld [tilespmem:$0x13D80];
	_ =	sdelay $0x7  }
0x11f: {  	[tilespmem:v1+s10+$0x0] =	vst.idx.add.f32.msk $0xffff, v0  }
0x120: {  	v1 =	vld [tilespmem:$0x13D90];
	_ =	sdelay $0x7  }
0x121: {  	[tilespmem:v1+s10+$0x0] =	vst.idx.add.f32.msk $0xffff, v0  }
0x122: {  	v1 =	vld [tilespmem:$0x13DA0];
	_ =	sdelay $0x7  }
0x123: {  	[tilespmem:v1+s10+$0x0] =	vst.idx.add.f32.msk $0xffff, v0  }
0x124: {  	v1 =	vld [tilespmem:$0x13DB0];
	_ =	sdelay $0x7  }
0x125: {  	[tilespmem:v1+s10+$0x0] =	vst.idx.add.f32.msk $0xffff, v0  }
0x126: {  	v1 =	vld [tilespmem:$0x13DC0];
	_ =	sdelay $0x7  }
0x127: {  	[tilespmem:v1+s10+$0x0] =	vst.idx.add.f32.msk $0xffff, v0  }
0x128: {  	v1 =	vld [tilespmem:$0x13DD0];
	_ =	sdelay $0x7  }
0x129: {  	[tilespmem:v1+s10+$0x0] =	vst.idx.add.f32.msk $0xffff, v0  }
0x12a: {  	v1 =	vld [tilespmem:$0x13DE0];
	_ =	sdelay $0x7  }
0x12b: {  	[tilespmem:v1+s10+$0x0] =	vst.idx.add.f32.msk $0xffff, v0  }
0x12c: {  	v1 =	vld [tilespmem:$0x13DF0];
	_ =	sdelay $0x7  }
0x12d: {  	[tilespmem:v1+s10+$0x0] =	vst.idx.add.f32.msk $0xffff, v0  }
0x12e: {  	_ =	swait.ge [sflag:s16], $0x4000  }
0x12f: {  	[sflag:s16] =	ssyncset.done $0x0  }
0x130: {  	[sflag:s16] =	ssyncadd.s32 $0xFFFFC000  }
0x131: {  	[spmem:s4] =	stream.indirect.scatter.add.f32 [tilespmem:s7], [sflag:$0x7], $0x80, s26, s3, $0xb8;
	[tilespmem:$0x1E880] =	vst v63  }
0x132: {  	_ =	swait.ge [sflag:s11], $0x4000  }
0x133: {  	[sflag:s11] =	ssyncset.done $0x0  }
0x134: {  	[sflag:s11] =	ssyncadd.s32 $0xFFFFC000  }
0x135: {  	_ =	swait.ge [sflag:s19], $0x80  }
0x136: {  	[sflag:s19] =	ssyncset.done $0x0  }
0x137: {  	[sflag:s19] =	ssyncadd.s32 $0xFFFFFF80  }
0x138: {  	_ =	swait.ge [sflag:s19], $0x80  }
0x139: {  	[sflag:s19] =	ssyncset.done $0x0  }
0x13a: {  	s9 =	rddreg [dreg:$0xe];
	[sflag:s19] =	ssyncadd.s32 $0xFFFFFF80  }
0x13b: {  	[hbm4b:s9+s5] =	stream.linear.scatter [tilespmem:s10], [sflag:$0x7], $0x2790, $0x38;
	[tilespmem:$0x1E880] =	vst v63  }
.Ltmp3:
0x13c: {  	_ =	swait.ge [sflag:s11], $0x2790;
	(pc) =	sbr.rel @p1 .LBB2_5-.Ltmp3, $3  }
0x13d: {  	[sflag:s11] =	ssyncset.done $0x0  }
0x13e: {  	[sflag:s11] =	ssyncadd.s32 $0xFFFFD870  }
0x13f: {  	[bflag:$0x0] =	sbarrier.arrive $0xFFFF;
	_ =	sdelay $0x1  }
0x140: {  	s9 =	sld [smem:$0x7F6];
	_ =	sdelay $0x2  }
0x141: {  	[tilespmem:s7], [sflag:$0x7] =	stream.linear.gather [spmem:s9], $0x4000, $0x38;
	[tilespmem:$0x1E880] =	vst v63  }
0x142: {  	_ =	swait.ge [sflag:s11], $0x4000  }
0x143: {  	[sflag:s11] =	ssyncset.done $0x0  }
0x144: {  	s22 =	rddreg [dreg:$0xf];
	[sflag:s11] =	ssyncadd.s32 $0xFFFFC000  }
0x145: {  	[hbm4b:s22+s5] =	stream.linear.scatter [tilespmem:s7], [sflag:$0x7], $0x4000, $0x38;
	[tilespmem:$0x1E880] =	vst v63  }
0x146: {  	_ =	swait.ge [sflag:s11], $0x4000  }
0x147: {  	s23 =	sld [smem:$0x7F7]  }
0x148: {  	[sflag:s11] =	ssyncset.done $0x0  }
0x149: {  	[sflag:s11] =	ssyncadd.s32 $0xFFFFC000  }
0x14a: {  	[tilespmem:s7], [sflag:$0x7] =	stream.linear.gather [spmem:s23], $0x4000, $0x38;
	[tilespmem:$0x1E880] =	vst v63  }
0x14b: {  	_ =	swait.ge [sflag:s11], $0x4000  }
0x14c: {  	[sflag:s11] =	ssyncset.done $0x0  }
0x14d: {  	s24 =	rddreg [dreg:$0x10];
	[sflag:s11] =	ssyncadd.s32 $0xFFFFC000  }
0x14e: {  	[hbm4b:s24+s5] =	stream.linear.scatter [tilespmem:s7], [sflag:$0x7], $0x4000, $0x38;
	[tilespmem:$0x1E880] =	vst v63  }
0x14f: {  	_ =	swait.ge [sflag:s11], $0x4000  }
0x150: {  	s22 =	sld [smem:$0x7F8]  }
0x151: {  	[sflag:s11] =	ssyncset.done $0x0  }
0x152: {  	[sflag:s11] =	ssyncadd.s32 $0xFFFFC000  }
0x153: {  	[tilespmem:s7], [sflag:$0x7] =	stream.linear.gather [spmem:s22], $0x4000, $0x38;
	[tilespmem:$0x1E880] =	vst v63  }
0x154: {  	_ =	swait.ge [sflag:s11], $0x4000  }
0x155: {  	[sflag:s11] =	ssyncset.done $0x0  }
0x156: {  	s23 =	rddreg [dreg:$0x11];
	[sflag:s11] =	ssyncadd.s32 $0xFFFFC000  }
0x157: {  	[hbm4b:s23+s5] =	stream.linear.scatter [tilespmem:s7], [sflag:$0x7], $0x4000, $0x38;
	[tilespmem:$0x1E880] =	vst v63  }
0x158: {  	_ =	swait.ge [sflag:s11], $0x4000  }
0x159: {  	s24 =	sld [smem:$0x7F9]  }
0x15a: {  	[sflag:s11] =	ssyncset.done $0x0  }
0x15b: {  	[sflag:s11] =	ssyncadd.s32 $0xFFFFC000  }
0x15c: {  	[tilespmem:s7], [sflag:$0x7] =	stream.linear.gather [spmem:s24], $0x4000, $0x38;
	[tilespmem:$0x1E880] =	vst v63  }
0x15d: {  	_ =	swait.ge [sflag:s11], $0x4000  }
0x15e: {  	[sflag:s11] =	ssyncset.done $0x0  }
0x15f: {  	s22 =	rddreg [dreg:$0x12];
	[sflag:s11] =	ssyncadd.s32 $0xFFFFC000  }
0x160: {  	[hbm4b:s22+s5] =	stream.linear.scatter [tilespmem:s7], [sflag:$0x7], $0x4000, $0x38;
	[tilespmem:$0x1E880] =	vst v63  }
0x161: {  	_ =	swait.ge [sflag:s11], $0x4000  }
0x162: {  	s23 =	sld [smem:$0x7FA]  }
0x163: {  	[sflag:s11] =	ssyncset.done $0x0  }
0x164: {  	[sflag:s11] =	ssyncadd.s32 $0xFFFFC000  }
0x165: {  	[tilespmem:s7], [sflag:$0x7] =	stream.linear.gather [spmem:s23], $0x4000, $0x38;
	[tilespmem:$0x1E880] =	vst v63  }
0x166: {  	_ =	swait.ge [sflag:s11], $0x4000  }
0x167: {  	[sflag:s11] =	ssyncset.done $0x0  }
0x168: {  	s24 =	rddreg [dreg:$0x13];
	[sflag:s11] =	ssyncadd.s32 $0xFFFFC000  }
0x169: {  	[hbm4b:s24+s5] =	stream.linear.scatter [tilespmem:s7], [sflag:$0x7], $0x4000, $0x38;
	[tilespmem:$0x1E880] =	vst v63  }
0x16a: {  	_ =	swait.ge [sflag:s11], $0x4000  }
0x16b: {  	s22 =	sld [smem:$0x7FB]  }
0x16c: {  	[sflag:s11] =	ssyncset.done $0x0  }
0x16d: {  	[sflag:s11] =	ssyncadd.s32 $0xFFFFC000  }
0x16e: {  	[tilespmem:s7], [sflag:$0x7] =	stream.linear.gather [spmem:s22], $0x4000, $0x38;
	[tilespmem:$0x1E880] =	vst v63  }
0x16f: {  	_ =	swait.ge [sflag:s11], $0x4000  }
0x170: {  	[sflag:s11] =	ssyncset.done $0x0  }
0x171: {  	s23 =	rddreg [dreg:$0x14];
	[sflag:s11] =	ssyncadd.s32 $0xFFFFC000  }
0x172: {  	[hbm4b:s23+s5] =	stream.linear.scatter [tilespmem:s7], [sflag:$0x7], $0x4000, $0x38;
	[tilespmem:$0x1E880] =	vst v63  }
0x173: {  	_ =	swait.ge [sflag:s11], $0x4000  }
0x174: {  	s24 =	sld [smem:$0x7FC]  }
0x175: {  	[sflag:s11] =	ssyncset.done $0x0  }
0x176: {  	[sflag:s11] =	ssyncadd.s32 $0xFFFFC000  }
0x177: {  	[tilespmem:s7], [sflag:$0x7] =	stream.linear.gather [spmem:s24], $0x4000, $0x38;
	[tilespmem:$0x1E880] =	vst v63  }
0x178: {  	_ =	swait.ge [sflag:s11], $0x4000  }
0x179: {  	[sflag:s11] =	ssyncset.done $0x0  }
0x17a: {  	s22 =	rddreg [dreg:$0x15];
	[sflag:s11] =	ssyncadd.s32 $0xFFFFC000  }
0x17b: {  	[hbm4b:s22+s5] =	stream.linear.scatter [tilespmem:s7], [sflag:$0x7], $0x4000, $0x38;
	[tilespmem:$0x1E880] =	vst v63  }
0x17c: {  	_ =	swait.ge [sflag:s11], $0x4000  }
0x17d: {  	s23 =	sld [smem:$0x7FD]  }
0x17e: {  	[sflag:s11] =	ssyncset.done $0x0  }
0x17f: {  	[sflag:s11] =	ssyncadd.s32 $0xFFFFC000  }
0x180: {  	[tilespmem:s7], [sflag:$0x7] =	stream.linear.gather [spmem:s23], $0x3400, $0x38;
	[tilespmem:$0x1E880] =	vst v63  }
0x181: {  	_ =	swait.ge [sflag:s11], $0x3400  }
0x182: {  	[sflag:s11] =	ssyncset.done $0x0  }
.Ltmp4:
0x183: {  	s24 =	rddreg [dreg:$0x16];
	[sflag:s11] =	ssyncadd.s32 $0xFFFFCC00;
	(pc) =	sbr.rel .LBB2_5-.Ltmp4, $4  }
0x184: {  	[hbm4b:s24+s5] =	stream.linear.scatter [tilespmem:s7], [sflag:$0x7], $0x3400, $0x38;
	[tilespmem:$0x1E880] =	vst v63  }
0x185: {  	_ =	swait.ge [sflag:s11], $0x3400  }
0x186: {  	[sflag:s11] =	ssyncset.done $0x0  }
0x187: {  	[sflag:s11] =	ssyncadd.s32 $0xFFFFCC00  }
.LBB2_6:
0x188: {  	_ =	sfence.sel $0x180000  }
0x189: {  	[bflag:$0x0] =	sbarrier.arrive $0xFFFF  }
0x18a: {  	_ =	strace $0x90000047  }
0x18b: {  	[bflag:$0x2] =	sbarrier.arrive $0xFFFF  }
0x18c: {  	s0 =	rddreg [dreg:$0x7]  }
0x18d: {  	s0 =	sadd.s32 @!p0 $0x100000, s0  }
0x18e: {  	[sflag:s0] =	ssyncadd.tile.s32 @!p0 $0x1;
	_ =	shalt  }
.Lfunc_end2:
_tile_overlayer_lowered:
.L_overlay_start_2:
0x18f: {  	(tag) =	ssettag $0x2  }
0x190: {  	s0 =	rddreg [dreg:$0x0];
	s2 =	stileid.u32  }
0x191: {  	s1 =	rddreg [dreg:$0x1];
	p0 =	sne.s32 s2, $0x0  }
0x192: {  	s3 =	rddreg [dreg:$0x2];
	[bflag:$0x3] =	sbarrier.arrive $0xFFFF;
	s2 =	simm.s32 @!p0 $0x1C07  }
0x193: {  	[timem:s3], [sflag:s2] =	dma.local @!p0 [hbm:s0], s1  }
0x194: {  	s0 =	simm.s32 @!p0 $0x7  }
0x195: {  	_ =	swait.ge @!p0 [sflag:s0], s1  }
0x196: {  	s1 =	ssub.s32 @!p0 $0x0, s1;
	[sflag:s0] =	ssyncset.done @!p0 $0x0  }
0x197: {  	[sflag:s0] =	ssyncadd.s32 @!p0 s1  }
0x198: {  	[bflag:$0x3] =	sbarrier.arrive $0xFFFF  }
0x199: {  	_ =	shalt  }

</sc_bundles>
